<compile_context>
chip_gen: v7x
topology: tpu7x:2x2x1
jax: 0.10.2.dev20260603
libtpu: 0.0.44.dev20260713+nightly
codegen_flags: <defaults>
</compile_context>

<pallas_src>
import functools

import jax
import jax.numpy as jnp
from jax import lax
from jax.experimental import pallas as pl
from jax.experimental.pallas import tpu as pltpu
from jax.experimental.pallas import tpu_sc as plsc

NC, NS, L = 2, 16, 16
NW = NC * NS


def kernel(x, pe_weight):
    B, T, D = x.shape
    TPW = T // NW
    CT = 4
    NCH = TPW // CT
    VECS = D // L

    @functools.partial(
        pl.kernel,
        out_type=jax.ShapeDtypeStruct((B, T, D), jnp.float32),
        mesh=plsc.VectorSubcoreMesh(core_axis_name="c", subcore_axis_name="s"),
        scratch_types=[
            [[pltpu.VMEM((CT, D), jnp.float32) for _ in range(2)] for _ in range(B)],
            [pltpu.VMEM((CT, D), jnp.float32) for _ in range(2)],
            [[pltpu.SemaphoreType.DMA for _ in range(2)] for _ in range(B)],
            [[pltpu.SemaphoreType.DMA for _ in range(2)] for _ in range(B)],
            [pltpu.SemaphoreType.DMA for _ in range(2)],
        ],
    )
    def sc_add_pe(x_hbm, pe_hbm, out_hbm, xbufs, pebufs, sin, sout, spe):
        wid = lax.axis_index("s") * NC + lax.axis_index("c")
        base = wid * TPW

        def x_src(c, b):
            return x_hbm.at[b, pl.ds(base + c * CT, CT)]

        def o_dst(c, b):
            return out_hbm.at[b, pl.ds(base + c * CT, CT)]

        def pe_src(c):
            return pe_hbm.at[pl.ds(base + c * CT, CT)]

        for P in range(2):
            pltpu.async_copy(pe_src(P), pebufs[P], spe[P])
            for b in range(B):
                pltpu.async_copy(x_src(P, b), xbufs[b][P], sin[b][P])

        def add_chunk(xb, pb):
            @plsc.parallel_loop(0, CT)
            def _rows(r):
                @plsc.parallel_loop(0, VECS, unroll=8)
                def _vecs(i):
                    sl = pl.ds(i * L, L)
                    xb[r, sl] = xb[r, sl] + pb[r, sl]

        def compute_chunk(c, P):
            pltpu.make_async_copy(pe_src(c), pebufs[P], spe[P]).wait()
            for b in range(B):
                pltpu.make_async_copy(x_src(c, b), xbufs[b][P], sin[b][P]).wait()
                add_chunk(xbufs[b][P], pebufs[P])
                pltpu.async_copy(xbufs[b][P], o_dst(c, b), sout[b][P])

            @pl.when(c + 2 < NCH)
            def _():
                pltpu.async_copy(pe_src(c + 2), pebufs[P], spe[P])

        def recycle_chunk(c, P):
            for b in range(B):
                pltpu.make_async_copy(xbufs[b][P], o_dst(c, b), sout[b][P]).wait()

                @pl.when(c + 2 < NCH)
                def _():
                    pltpu.async_copy(x_src(c + 2, b), xbufs[b][P], sin[b][P])

        def g_body(g, carry):
            c0 = 2 * g
            compute_chunk(c0, 0)
            compute_chunk(c0 + 1, 1)
            recycle_chunk(c0, 0)
            recycle_chunk(c0 + 1, 1)
            return carry

        lax.fori_loop(0, NCH // 2, g_body, 0)

    return sc_add_pe(x, pe_weight)

# --- scband reference (transcript-rebuilt; emitter-appended) ---
"""Pipeline reference for scband-learnable-positional-encoding-18743237279899 (READ-ONLY COPY).

The authoritative reference and input builder live on the scoring server;
editing this copy changes nothing except your own understanding.
"""

import jax, jax.numpy as jnp
import numpy as np

B, T, D = 4, 4096, 2048
MAX_LEN = 8192

def setup_inputs(seed: int = 0) -> dict:
    key = jax.random.key(seed)
    k1, k2 = jax.random.split(key)
    x = jax.random.normal(k1, (B, T, D), dtype=jnp.float32)
    pe_weight = jax.random.normal(k2, (MAX_LEN, D), dtype=jnp.float32) * 0.02
    return {"x": x, "pe_weight": pe_weight}

def reference(x, pe_weight):
    T_ = x.shape[1]
    positions = jnp.arange(T_)
    pos_emb = jnp.take(pe_weight, positions, axis=0)  # embedding lookup
    return x + pos_emb[None, :, :]

if __name__ == "__main__":
    import jax
    _d = setup_inputs()
    print(jax.jit(kernel)(*tuple(_d.values())))

</pallas_src>

<mosaic_0001>
#map = affine_map<(d0, d1) -> (0, 0, 0)>
#map1 = affine_map<(d0, d1) -> (0, 0)>
module attributes {stable_mosaic.version = 14 : i64} {
  func.func @sc_add_pe(%arg0: i32, %arg1: i32, %arg2: memref<4x4096x2048xf32, #tpu.memory_space<hbm>>, %arg3: memref<8192x2048xf32, #tpu.memory_space<hbm>>, %arg4: memref<4x4096x2048xf32, #tpu.memory_space<hbm>>, %arg5: memref<4x2048xf32, #tpu.memory_space<vmem>>, %arg6: memref<4x2048xf32, #tpu.memory_space<vmem>>, %arg7: memref<4x2048xf32, #tpu.memory_space<vmem>>, %arg8: memref<4x2048xf32, #tpu.memory_space<vmem>>, %arg9: memref<4x2048xf32, #tpu.memory_space<vmem>>, %arg10: memref<4x2048xf32, #tpu.memory_space<vmem>>, %arg11: memref<4x2048xf32, #tpu.memory_space<vmem>>, %arg12: memref<4x2048xf32, #tpu.memory_space<vmem>>, %arg13: memref<4x2048xf32, #tpu.memory_space<vmem>>, %arg14: memref<4x2048xf32, #tpu.memory_space<vmem>>, %arg15: memref<!tpu.dma_semaphore, #tpu.memory_space<semaphore_mem>>, %arg16: memref<!tpu.dma_semaphore, #tpu.memory_space<semaphore_mem>>, %arg17: memref<!tpu.dma_semaphore, #tpu.memory_space<semaphore_mem>>, %arg18: memref<!tpu.dma_semaphore, #tpu.memory_space<semaphore_mem>>, %arg19: memref<!tpu.dma_semaphore, #tpu.memory_space<semaphore_mem>>, %arg20: memref<!tpu.dma_semaphore, #tpu.memory_space<semaphore_mem>>, %arg21: memref<!tpu.dma_semaphore, #tpu.memory_space<semaphore_mem>>, %arg22: memref<!tpu.dma_semaphore, #tpu.memory_space<semaphore_mem>>, %arg23: memref<!tpu.dma_semaphore, #tpu.memory_space<semaphore_mem>>, %arg24: memref<!tpu.dma_semaphore, #tpu.memory_space<semaphore_mem>>, %arg25: memref<!tpu.dma_semaphore, #tpu.memory_space<semaphore_mem>>, %arg26: memref<!tpu.dma_semaphore, #tpu.memory_space<semaphore_mem>>, %arg27: memref<!tpu.dma_semaphore, #tpu.memory_space<semaphore_mem>>, %arg28: memref<!tpu.dma_semaphore, #tpu.memory_space<semaphore_mem>>, %arg29: memref<!tpu.dma_semaphore, #tpu.memory_space<semaphore_mem>>, %arg30: memref<!tpu.dma_semaphore, #tpu.memory_space<semaphore_mem>>, %arg31: memref<!tpu.dma_semaphore, #tpu.memory_space<semaphore_mem>>, %arg32: memref<!tpu.dma_semaphore, #tpu.memory_space<semaphore_mem>>) attributes {dimension_semantics = [#tpu.dimension_semantics<core_parallel>, #tpu.dimension_semantics<subcore_parallel>], iteration_bounds = array<i64: 2, 16>, scalar_prefetch = 0 : i64, scratch_operands = 28 : i64, tpu.core_type = #tpu.core_type<sc_vector_subcore>, window_params = [{transform_indices = #map}, {transform_indices = #map1}, {transform_indices = #map}]} {
    %mul3A = arith.constant 2 : i32
    %mul3A_0 = arith.muli %arg1, %mul3A : i32
    %add3A = arith.addi %mul3A_0, %arg0 : i32
    %mul3A_1 = arith.constant 128 : i32
    %mul3A_2 = arith.muli %add3A, %mul3A_1 : i32
    %add3A_3 = arith.constant 0 : i32
    %add3A_4 = arith.addi %mul3A_2, %add3A_3 : i32
    %dma_start3A = arith.constant 0 : i32
    %dma_start3A_5 = tpu.memref_slice %arg3[%add3A_4, %dma_start3A] : memref<8192x2048xf32, #tpu.memory_space<hbm>> -> memref<4x2048xf32, #tpu.memory_space<hbm>>
    %dma_start3A_6 = arith.constant 0 : i32
    %dma_start3A_7 = tpu.memref_slice %arg3[%add3A_4, %dma_start3A_6] : memref<8192x2048xf32, #tpu.memory_space<hbm>> -> memref<4x2048xf32, #tpu.memory_space<hbm>>
    tpu.enqueue_dma source(%dma_start3A_7 : memref<4x2048xf32, #tpu.memory_space<hbm>>) target(%arg13 : memref<4x2048xf32, #tpu.memory_space<vmem>>) target_semaphore(%arg31 : memref<!tpu.dma_semaphore, #tpu.memory_space<semaphore_mem>>)
    %add3A_8 = arith.constant 0 : i32
    %add3A_9 = arith.addi %mul3A_2, %add3A_8 : i32
    %dma_start3A_10 = arith.constant 0 : i32
    %dma_start3A_11 = arith.constant 0 : i32
    %dma_start3A_12 = tpu.memref_slice %arg2[%dma_start3A_10, %add3A_9, %dma_start3A_11] : memref<4x4096x2048xf32, #tpu.memory_space<hbm>> -> memref<1x4x2048xf32, #tpu.memory_space<hbm>>
    %dma_start3A_13 = tpu.memref_squeeze %dma_start3A_12 : memref<1x4x2048xf32, #tpu.memory_space<hbm>> -> memref<4x2048xf32, #tpu.memory_space<hbm>>
    %dma_start3A_14 = arith.constant 0 : i32
    %dma_start3A_15 = tpu.memref_slice %arg2[%dma_start3A_10, %add3A_9, %dma_start3A_14] : memref<4x4096x2048xf32, #tpu.memory_space<hbm>> -> memref<1x4x2048xf32, #tpu.memory_space<hbm>>
    %dma_start3A_16 = tpu.memref_squeeze %dma_start3A_15 : memref<1x4x2048xf32, #tpu.memory_space<hbm>> -> memref<4x2048xf32, #tpu.memory_space<hbm>>
    tpu.enqueue_dma source(%dma_start3A_16 : memref<4x2048xf32, #tpu.memory_space<hbm>>) target(%arg5 : memref<4x2048xf32, #tpu.memory_space<vmem>>) target_semaphore(%arg15 : memref<!tpu.dma_semaphore, #tpu.memory_space<semaphore_mem>>)
    %add3A_17 = arith.constant 0 : i32
    %add3A_18 = arith.addi %mul3A_2, %add3A_17 : i32
    %dma_start3A_19 = arith.constant 1 : i32
    %dma_start3A_20 = arith.constant 0 : i32
    %dma_start3A_21 = tpu.memref_slice %arg2[%dma_start3A_19, %add3A_18, %dma_start3A_20] : memref<4x4096x2048xf32, #tpu.memory_space<hbm>> -> memref<1x4x2048xf32, #tpu.memory_space<hbm>>
    %dma_start3A_22 = tpu.memref_squeeze %dma_start3A_21 : memref<1x4x2048xf32, #tpu.memory_space<hbm>> -> memref<4x2048xf32, #tpu.memory_space<hbm>>
    %dma_start3A_23 = arith.constant 0 : i32
    %dma_start3A_24 = tpu.memref_slice %arg2[%dma_start3A_19, %add3A_18, %dma_start3A_23] : memref<4x4096x2048xf32, #tpu.memory_space<hbm>> -> memref<1x4x2048xf32, #tpu.memory_space<hbm>>
    %dma_start3A_25 = tpu.memref_squeeze %dma_start3A_24 : memref<1x4x2048xf32, #tpu.memory_space<hbm>> -> memref<4x2048xf32, #tpu.memory_space<hbm>>
    tpu.enqueue_dma source(%dma_start3A_25 : memref<4x2048xf32, #tpu.memory_space<hbm>>) target(%arg7 : memref<4x2048xf32, #tpu.memory_space<vmem>>) target_semaphore(%arg17 : memref<!tpu.dma_semaphore, #tpu.memory_space<semaphore_mem>>)
    %add3A_26 = arith.constant 0 : i32
    %add3A_27 = arith.addi %mul3A_2, %add3A_26 : i32
    %dma_start3A_28 = arith.constant 2 : i32
    %dma_start3A_29 = arith.constant 0 : i32
    %dma_start3A_30 = tpu.memref_slice %arg2[%dma_start3A_28, %add3A_27, %dma_start3A_29] : memref<4x4096x2048xf32, #tpu.memory_space<hbm>> -> memref<1x4x2048xf32, #tpu.memory_space<hbm>>
    %dma_start3A_31 = tpu.memref_squeeze %dma_start3A_30 : memref<1x4x2048xf32, #tpu.memory_space<hbm>> -> memref<4x2048xf32, #tpu.memory_space<hbm>>
    %dma_start3A_32 = arith.constant 0 : i32
    %dma_start3A_33 = tpu.memref_slice %arg2[%dma_start3A_28, %add3A_27, %dma_start3A_32] : memref<4x4096x2048xf32, #tpu.memory_space<hbm>> -> memref<1x4x2048xf32, #tpu.memory_space<hbm>>
    %dma_start3A_34 = tpu.memref_squeeze %dma_start3A_33 : memref<1x4x2048xf32, #tpu.memory_space<hbm>> -> memref<4x2048xf32, #tpu.memory_space<hbm>>
    tpu.enqueue_dma source(%dma_start3A_34 : memref<4x2048xf32, #tpu.memory_space<hbm>>) target(%arg9 : memref<4x2048xf32, #tpu.memory_space<vmem>>) target_semaphore(%arg19 : memref<!tpu.dma_semaphore, #tpu.memory_space<semaphore_mem>>)
    %add3A_35 = arith.constant 0 : i32
    %add3A_36 = arith.addi %mul3A_2, %add3A_35 : i32
    %dma_start3A_37 = arith.constant 3 : i32
    %dma_start3A_38 = arith.constant 0 : i32
    %dma_start3A_39 = tpu.memref_slice %arg2[%dma_start3A_37, %add3A_36, %dma_start3A_38] : memref<4x4096x2048xf32, #tpu.memory_space<hbm>> -> memref<1x4x2048xf32, #tpu.memory_space<hbm>>
    %dma_start3A_40 = tpu.memref_squeeze %dma_start3A_39 : memref<1x4x2048xf32, #tpu.memory_space<hbm>> -> memref<4x2048xf32, #tpu.memory_space<hbm>>
    %dma_start3A_41 = arith.constant 0 : i32
    %dma_start3A_42 = tpu.memref_slice %arg2[%dma_start3A_37, %add3A_36, %dma_start3A_41] : memref<4x4096x2048xf32, #tpu.memory_space<hbm>> -> memref<1x4x2048xf32, #tpu.memory_space<hbm>>
    %dma_start3A_43 = tpu.memref_squeeze %dma_start3A_42 : memref<1x4x2048xf32, #tpu.memory_space<hbm>> -> memref<4x2048xf32, #tpu.memory_space<hbm>>
    tpu.enqueue_dma source(%dma_start3A_43 : memref<4x2048xf32, #tpu.memory_space<hbm>>) target(%arg11 : memref<4x2048xf32, #tpu.memory_space<vmem>>) target_semaphore(%arg21 : memref<!tpu.dma_semaphore, #tpu.memory_space<semaphore_mem>>)
    %add3A_44 = arith.constant 4 : i32
    %add3A_45 = arith.addi %mul3A_2, %add3A_44 : i32
    %dma_start3A_46 = arith.constant 0 : i32
    %dma_start3A_47 = tpu.memref_slice %arg3[%add3A_45, %dma_start3A_46] : memref<8192x2048xf32, #tpu.memory_space<hbm>> -> memref<4x2048xf32, #tpu.memory_space<hbm>>
    %dma_start3A_48 = arith.constant 0 : i32
    %dma_start3A_49 = tpu.memref_slice %arg3[%add3A_45, %dma_start3A_48] : memref<8192x2048xf32, #tpu.memory_space<hbm>> -> memref<4x2048xf32, #tpu.memory_space<hbm>>
    tpu.enqueue_dma source(%dma_start3A_49 : memref<4x2048xf32, #tpu.memory_space<hbm>>) target(%arg14 : memref<4x2048xf32, #tpu.memory_space<vmem>>) target_semaphore(%arg32 : memref<!tpu.dma_semaphore, #tpu.memory_space<semaphore_mem>>)
    %add3A_50 = arith.constant 4 : i32
    %add3A_51 = arith.addi %mul3A_2, %add3A_50 : i32
    %dma_start3A_52 = arith.constant 0 : i32
    %dma_start3A_53 = arith.constant 0 : i32
    %dma_start3A_54 = tpu.memref_slice %arg2[%dma_start3A_52, %add3A_51, %dma_start3A_53] : memref<4x4096x2048xf32, #tpu.memory_space<hbm>> -> memref<1x4x2048xf32, #tpu.memory_space<hbm>>
    %dma_start3A_55 = tpu.memref_squeeze %dma_start3A_54 : memref<1x4x2048xf32, #tpu.memory_space<hbm>> -> memref<4x2048xf32, #tpu.memory_space<hbm>>
    %dma_start3A_56 = arith.constant 0 : i32
    %dma_start3A_57 = tpu.memref_slice %arg2[%dma_start3A_52, %add3A_51, %dma_start3A_56] : memref<4x4096x2048xf32, #tpu.memory_space<hbm>> -> memref<1x4x2048xf32, #tpu.memory_space<hbm>>
    %dma_start3A_58 = tpu.memref_squeeze %dma_start3A_57 : memref<1x4x2048xf32, #tpu.memory_space<hbm>> -> memref<4x2048xf32, #tpu.memory_space<hbm>>
    tpu.enqueue_dma source(%dma_start3A_58 : memref<4x2048xf32, #tpu.memory_space<hbm>>) target(%arg6 : memref<4x2048xf32, #tpu.memory_space<vmem>>) target_semaphore(%arg16 : memref<!tpu.dma_semaphore, #tpu.memory_space<semaphore_mem>>)
    %add3A_59 = arith.constant 4 : i32
    %add3A_60 = arith.addi %mul3A_2, %add3A_59 : i32
    %dma_start3A_61 = arith.constant 1 : i32
    %dma_start3A_62 = arith.constant 0 : i32
    %dma_start3A_63 = tpu.memref_slice %arg2[%dma_start3A_61, %add3A_60, %dma_start3A_62] : memref<4x4096x2048xf32, #tpu.memory_space<hbm>> -> memref<1x4x2048xf32, #tpu.memory_space<hbm>>
    %dma_start3A_64 = tpu.memref_squeeze %dma_start3A_63 : memref<1x4x2048xf32, #tpu.memory_space<hbm>> -> memref<4x2048xf32, #tpu.memory_space<hbm>>
    %dma_start3A_65 = arith.constant 0 : i32
    %dma_start3A_66 = tpu.memref_slice %arg2[%dma_start3A_61, %add3A_60, %dma_start3A_65] : memref<4x4096x2048xf32, #tpu.memory_space<hbm>> -> memref<1x4x2048xf32, #tpu.memory_space<hbm>>
    %dma_start3A_67 = tpu.memref_squeeze %dma_start3A_66 : memref<1x4x2048xf32, #tpu.memory_space<hbm>> -> memref<4x2048xf32, #tpu.memory_space<hbm>>
    tpu.enqueue_dma source(%dma_start3A_67 : memref<4x2048xf32, #tpu.memory_space<hbm>>) target(%arg8 : memref<4x2048xf32, #tpu.memory_space<vmem>>) target_semaphore(%arg18 : memref<!tpu.dma_semaphore, #tpu.memory_space<semaphore_mem>>)
    %add3A_68 = arith.constant 4 : i32
    %add3A_69 = arith.addi %mul3A_2, %add3A_68 : i32
    %dma_start3A_70 = arith.constant 2 : i32
    %dma_start3A_71 = arith.constant 0 : i32
    %dma_start3A_72 = tpu.memref_slice %arg2[%dma_start3A_70, %add3A_69, %dma_start3A_71] : memref<4x4096x2048xf32, #tpu.memory_space<hbm>> -> memref<1x4x2048xf32, #tpu.memory_space<hbm>>
    %dma_start3A_73 = tpu.memref_squeeze %dma_start3A_72 : memref<1x4x2048xf32, #tpu.memory_space<hbm>> -> memref<4x2048xf32, #tpu.memory_space<hbm>>
    %dma_start3A_74 = arith.constant 0 : i32
    %dma_start3A_75 = tpu.memref_slice %arg2[%dma_start3A_70, %add3A_69, %dma_start3A_74] : memref<4x4096x2048xf32, #tpu.memory_space<hbm>> -> memref<1x4x2048xf32, #tpu.memory_space<hbm>>
    %dma_start3A_76 = tpu.memref_squeeze %dma_start3A_75 : memref<1x4x2048xf32, #tpu.memory_space<hbm>> -> memref<4x2048xf32, #tpu.memory_space<hbm>>
    tpu.enqueue_dma source(%dma_start3A_76 : memref<4x2048xf32, #tpu.memory_space<hbm>>) target(%arg10 : memref<4x2048xf32, #tpu.memory_space<vmem>>) target_semaphore(%arg20 : memref<!tpu.dma_semaphore, #tpu.memory_space<semaphore_mem>>)
    %add3A_77 = arith.constant 4 : i32
    %add3A_78 = arith.addi %mul3A_2, %add3A_77 : i32
    %dma_start3A_79 = arith.constant 3 : i32
    %dma_start3A_80 = arith.constant 0 : i32
    %dma_start3A_81 = tpu.memref_slice %arg2[%dma_start3A_79, %add3A_78, %dma_start3A_80] : memref<4x4096x2048xf32, #tpu.memory_space<hbm>> -> memref<1x4x2048xf32, #tpu.memory_space<hbm>>
    %dma_start3A_82 = tpu.memref_squeeze %dma_start3A_81 : memref<1x4x2048xf32, #tpu.memory_space<hbm>> -> memref<4x2048xf32, #tpu.memory_space<hbm>>
    %dma_start3A_83 = arith.constant 0 : i32
    %dma_start3A_84 = tpu.memref_slice %arg2[%dma_start3A_79, %add3A_78, %dma_start3A_83] : memref<4x4096x2048xf32, #tpu.memory_space<hbm>> -> memref<1x4x2048xf32, #tpu.memory_space<hbm>>
    %dma_start3A_85 = tpu.memref_squeeze %dma_start3A_84 : memref<1x4x2048xf32, #tpu.memory_space<hbm>> -> memref<4x2048xf32, #tpu.memory_space<hbm>>
    tpu.enqueue_dma source(%dma_start3A_85 : memref<4x2048xf32, #tpu.memory_space<hbm>>) target(%arg12 : memref<4x2048xf32, #tpu.memory_space<vmem>>) target_semaphore(%arg22 : memref<!tpu.dma_semaphore, #tpu.memory_space<semaphore_mem>>)
    %scan3A = arith.constant 0 : i32
    %scan3A_86 = arith.constant 0 : i32
    %scan3A_87 = arith.constant 16 : i32
    %scan3A_88 = arith.addi %scan3A_86, %scan3A_87 : i32
    %scan3A_89 = arith.constant 1 : i32
    scf.for %scan3A_91 = %scan3A_86 to %scan3A_88 step %scan3A_89  : i32 {
      %mul3A_92 = arith.constant 2 : i32
      %mul3A_93 = arith.muli %mul3A_92, %scan3A_91 : i32
      %mul3A_94 = arith.constant 4 : i32
      %mul3A_95 = arith.muli %mul3A_93, %mul3A_94 : i32
      %add3A_96 = arith.addi %mul3A_2, %mul3A_95 : i32
      %dma_wait3A = arith.constant 0 : i32
      %dma_wait3A_97 = tpu.memref_slice %arg3[%add3A_96, %dma_wait3A] : memref<8192x2048xf32, #tpu.memory_space<hbm>> -> memref<4x2048xf32, #tpu.memory_space<hbm>>
      %dma_wait3A_98 = arith.constant 0 : i32
      %dma_wait3A_99 = tpu.memref_slice %arg3[%add3A_96, %dma_wait3A_98] : memref<8192x2048xf32, #tpu.memory_space<hbm>> -> memref<4x2048xf32, #tpu.memory_space<hbm>>
      tpu.wait_dma2 semaphore(%arg31 : memref<!tpu.dma_semaphore, #tpu.memory_space<semaphore_mem>>) src(%dma_wait3A_99 : memref<4x2048xf32, #tpu.memory_space<hbm>>) dst(%arg13 : memref<4x2048xf32, #tpu.memory_space<vmem>>)
      %mul3A_100 = arith.constant 4 : i32
      %mul3A_101 = arith.muli %mul3A_93, %mul3A_100 : i32
      %add3A_102 = arith.addi %mul3A_2, %mul3A_101 : i32
      %dma_wait3A_103 = arith.constant 0 : i32
      %dma_wait3A_104 = arith.constant 0 : i32
      %dma_wait3A_105 = tpu.memref_slice %arg2[%dma_wait3A_103, %add3A_102, %dma_wait3A_104] : memref<4x4096x2048xf32, #tpu.memory_space<hbm>> -> memref<1x4x2048xf32, #tpu.memory_space<hbm>>
      %dma_wait3A_106 = tpu.memref_squeeze %dma_wait3A_105 : memref<1x4x2048xf32, #tpu.memory_space<hbm>> -> memref<4x2048xf32, #tpu.memory_space<hbm>>
      %dma_wait3A_107 = arith.constant 0 : i32
      %dma_wait3A_108 = tpu.memref_slice %arg2[%dma_wait3A_103, %add3A_102, %dma_wait3A_107] : memref<4x4096x2048xf32, #tpu.memory_space<hbm>> -> memref<1x4x2048xf32, #tpu.memory_space<hbm>>
      %dma_wait3A_109 = tpu.memref_squeeze %dma_wait3A_108 : memref<1x4x2048xf32, #tpu.memory_space<hbm>> -> memref<4x2048xf32, #tpu.memory_space<hbm>>
      tpu.wait_dma2 semaphore(%arg15 : memref<!tpu.dma_semaphore, #tpu.memory_space<semaphore_mem>>) src(%dma_wait3A_109 : memref<4x2048xf32, #tpu.memory_space<hbm>>) dst(%arg5 : memref<4x2048xf32, #tpu.memory_space<vmem>>)
      %parallel_loop3A = arith.constant 0 : i32
      %parallel_loop3A_110 = arith.constant 4 : i32
      %parallel_loop3A_111 = arith.constant 1 : i32
      scf.for %parallel_loop3A_441 = %parallel_loop3A to %parallel_loop3A_110 step %parallel_loop3A_111  : i32 {
        %parallel_loop3A_442 = arith.constant 0 : i32
        %parallel_loop3A_443 = arith.constant 128 : i32
        %parallel_loop3A_444 = arith.constant 1 : i32
        scf.for %parallel_loop3A_445 = %parallel_loop3A_442 to %parallel_loop3A_443 step %parallel_loop3A_444  : i32 {
          %parallel_loop3A_446 = arith.constant 16 : i32
          %parallel_loop3A_447 = arith.muli %parallel_loop3A_445, %parallel_loop3A_446 : i32
          %parallel_loop3A_448 = arith.index_cast %parallel_loop3A_441 : i32 to index
          %parallel_loop3A_449 = arith.index_cast %parallel_loop3A_447 : i32 to index
          %parallel_loop3A_450 = tpu.vector_load %arg5[%parallel_loop3A_448, %parallel_loop3A_449] {strides = array<i32>} : memref<4x2048xf32, #tpu.memory_space<vmem>>, vector<1x16xf32>,
          %parallel_loop3A_451 = vector.shape_cast %parallel_loop3A_450 : vector<1x16xf32> to vector<16xf32>
          %parallel_loop3A_452 = arith.index_cast %parallel_loop3A_441 : i32 to index
          %parallel_loop3A_453 = arith.index_cast %parallel_loop3A_447 : i32 to index
          %parallel_loop3A_454 = tpu.vector_load %arg13[%parallel_loop3A_452, %parallel_loop3A_453] {strides = array<i32>} : memref<4x2048xf32, #tpu.memory_space<vmem>>, vector<1x16xf32>,
          %parallel_loop3A_455 = vector.shape_cast %parallel_loop3A_454 : vector<1x16xf32> to vector<16xf32>
          %parallel_loop3A_456 = arith.addf %parallel_loop3A_451, %parallel_loop3A_455 : vector<16xf32>
          %parallel_loop3A_457 = arith.index_cast %parallel_loop3A_441 : i32 to index
          %parallel_loop3A_458 = arith.index_cast %parallel_loop3A_447 : i32 to index
          %parallel_loop3A_459 = tpu.vector_load %arg5[%parallel_loop3A_457, %parallel_loop3A_458] {strides = array<i32>} : memref<4x2048xf32, #tpu.memory_space<vmem>>, vector<1x16xf32>,
          %parallel_loop3A_460 = vector.shape_cast %parallel_loop3A_459 : vector<1x16xf32> to vector<16xf32>
          %parallel_loop3A_461 = vector.shape_cast %parallel_loop3A_456 : vector<16xf32> to vector<1x16xf32>
          tpu.vector_store %arg5[%parallel_loop3A_457, %parallel_loop3A_458], %parallel_loop3A_461 {strides = array<i32>} : memref<4x2048xf32, #tpu.memory_space<vmem>>, vector<1x16xf32>,
        } {sc.loop_unroll_factor = 8 : i64, sc.parallel_access}
      } {sc.loop_unroll_factor = 1 : i64, sc.parallel_access}
      %mul3A_112 = arith.constant 4 : i32
      %mul3A_113 = arith.muli %mul3A_93, %mul3A_112 : i32
      %add3A_114 = arith.addi %mul3A_2, %mul3A_113 : i32
      %dma_start3A_115 = arith.constant 0 : i32
      %dma_start3A_116 = arith.constant 0 : i32
      %dma_start3A_117 = tpu.memref_slice %arg4[%dma_start3A_115, %add3A_114, %dma_start3A_116] : memref<4x4096x2048xf32, #tpu.memory_space<hbm>> -> memref<1x4x2048xf32, #tpu.memory_space<hbm>>
      %dma_start3A_118 = tpu.memref_squeeze %dma_start3A_117 : memref<1x4x2048xf32, #tpu.memory_space<hbm>> -> memref<4x2048xf32, #tpu.memory_space<hbm>>
      %dma_start3A_119 = arith.constant 0 : i32
      %dma_start3A_120 = tpu.memref_slice %arg4[%dma_start3A_115, %add3A_114, %dma_start3A_119] : memref<4x4096x2048xf32, #tpu.memory_space<hbm>> -> memref<1x4x2048xf32, #tpu.memory_space<hbm>>
      %dma_start3A_121 = tpu.memref_squeeze %dma_start3A_120 : memref<1x4x2048xf32, #tpu.memory_space<hbm>> -> memref<4x2048xf32, #tpu.memory_space<hbm>>
      tpu.enqueue_dma source(%arg5 : memref<4x2048xf32, #tpu.memory_space<vmem>>) target(%dma_start3A_121 : memref<4x2048xf32, #tpu.memory_space<hbm>>) target_semaphore(%arg23 : memref<!tpu.dma_semaphore, #tpu.memory_space<semaphore_mem>>)
      %mul3A_122 = arith.constant 4 : i32
      %mul3A_123 = arith.muli %mul3A_93, %mul3A_122 : i32
      %add3A_124 = arith.addi %mul3A_2, %mul3A_123 : i32
      %dma_wait3A_125 = arith.constant 1 : i32
      %dma_wait3A_126 = arith.constant 0 : i32
      %dma_wait3A_127 = tpu.memref_slice %arg2[%dma_wait3A_125, %add3A_124, %dma_wait3A_126] : memref<4x4096x2048xf32, #tpu.memory_space<hbm>> -> memref<1x4x2048xf32, #tpu.memory_space<hbm>>
      %dma_wait3A_128 = tpu.memref_squeeze %dma_wait3A_127 : memref<1x4x2048xf32, #tpu.memory_space<hbm>> -> memref<4x2048xf32, #tpu.memory_space<hbm>>
      %dma_wait3A_129 = arith.constant 0 : i32
      %dma_wait3A_130 = tpu.memref_slice %arg2[%dma_wait3A_125, %add3A_124, %dma_wait3A_129] : memref<4x4096x2048xf32, #tpu.memory_space<hbm>> -> memref<1x4x2048xf32, #tpu.memory_space<hbm>>
      %dma_wait3A_131 = tpu.memref_squeeze %dma_wait3A_130 : memref<1x4x2048xf32, #tpu.memory_space<hbm>> -> memref<4x2048xf32, #tpu.memory_space<hbm>>
      tpu.wait_dma2 semaphore(%arg17 : memref<!tpu.dma_semaphore, #tpu.memory_space<semaphore_mem>>) src(%dma_wait3A_131 : memref<4x2048xf32, #tpu.memory_space<hbm>>) dst(%arg7 : memref<4x2048xf32, #tpu.memory_space<vmem>>)
      %parallel_loop3A_132 = arith.constant 0 : i32
      %parallel_loop3A_133 = arith.constant 4 : i32
      %parallel_loop3A_134 = arith.constant 1 : i32
      scf.for %parallel_loop3A_441 = %parallel_loop3A_132 to %parallel_loop3A_133 step %parallel_loop3A_134  : i32 {
        %parallel_loop3A_442 = arith.constant 0 : i32
        %parallel_loop3A_443 = arith.constant 128 : i32
        %parallel_loop3A_444 = arith.constant 1 : i32
        scf.for %parallel_loop3A_445 = %parallel_loop3A_442 to %parallel_loop3A_443 step %parallel_loop3A_444  : i32 {
          %parallel_loop3A_446 = arith.constant 16 : i32
          %parallel_loop3A_447 = arith.muli %parallel_loop3A_445, %parallel_loop3A_446 : i32
          %parallel_loop3A_448 = arith.index_cast %parallel_loop3A_441 : i32 to index
          %parallel_loop3A_449 = arith.index_cast %parallel_loop3A_447 : i32 to index
          %parallel_loop3A_450 = tpu.vector_load %arg7[%parallel_loop3A_448, %parallel_loop3A_449] {strides = array<i32>} : memref<4x2048xf32, #tpu.memory_space<vmem>>, vector<1x16xf32>,
          %parallel_loop3A_451 = vector.shape_cast %parallel_loop3A_450 : vector<1x16xf32> to vector<16xf32>
          %parallel_loop3A_452 = arith.index_cast %parallel_loop3A_441 : i32 to index
          %parallel_loop3A_453 = arith.index_cast %parallel_loop3A_447 : i32 to index
          %parallel_loop3A_454 = tpu.vector_load %arg13[%parallel_loop3A_452, %parallel_loop3A_453] {strides = array<i32>} : memref<4x2048xf32, #tpu.memory_space<vmem>>, vector<1x16xf32>,
          %parallel_loop3A_455 = vector.shape_cast %parallel_loop3A_454 : vector<1x16xf32> to vector<16xf32>
          %parallel_loop3A_456 = arith.addf %parallel_loop3A_451, %parallel_loop3A_455 : vector<16xf32>
          %parallel_loop3A_457 = arith.index_cast %parallel_loop3A_441 : i32 to index
          %parallel_loop3A_458 = arith.index_cast %parallel_loop3A_447 : i32 to index
          %parallel_loop3A_459 = tpu.vector_load %arg7[%parallel_loop3A_457, %parallel_loop3A_458] {strides = array<i32>} : memref<4x2048xf32, #tpu.memory_space<vmem>>, vector<1x16xf32>,
          %parallel_loop3A_460 = vector.shape_cast %parallel_loop3A_459 : vector<1x16xf32> to vector<16xf32>
          %parallel_loop3A_461 = vector.shape_cast %parallel_loop3A_456 : vector<16xf32> to vector<1x16xf32>
          tpu.vector_store %arg7[%parallel_loop3A_457, %parallel_loop3A_458], %parallel_loop3A_461 {strides = array<i32>} : memref<4x2048xf32, #tpu.memory_space<vmem>>, vector<1x16xf32>,
        } {sc.loop_unroll_factor = 8 : i64, sc.parallel_access}
      } {sc.loop_unroll_factor = 1 : i64, sc.parallel_access}
      %mul3A_135 = arith.constant 4 : i32
      %mul3A_136 = arith.muli %mul3A_93, %mul3A_135 : i32
      %add3A_137 = arith.addi %mul3A_2, %mul3A_136 : i32
      %dma_start3A_138 = arith.constant 1 : i32
      %dma_start3A_139 = arith.constant 0 : i32
      %dma_start3A_140 = tpu.memref_slice %arg4[%dma_start3A_138, %add3A_137, %dma_start3A_139] : memref<4x4096x2048xf32, #tpu.memory_space<hbm>> -> memref<1x4x2048xf32, #tpu.memory_space<hbm>>
      %dma_start3A_141 = tpu.memref_squeeze %dma_start3A_140 : memref<1x4x2048xf32, #tpu.memory_space<hbm>> -> memref<4x2048xf32, #tpu.memory_space<hbm>>
      %dma_start3A_142 = arith.constant 0 : i32
      %dma_start3A_143 = tpu.memref_slice %arg4[%dma_start3A_138, %add3A_137, %dma_start3A_142] : memref<4x4096x2048xf32, #tpu.memory_space<hbm>> -> memref<1x4x2048xf32, #tpu.memory_space<hbm>>
      %dma_start3A_144 = tpu.memref_squeeze %dma_start3A_143 : memref<1x4x2048xf32, #tpu.memory_space<hbm>> -> memref<4x2048xf32, #tpu.memory_space<hbm>>
      tpu.enqueue_dma source(%arg7 : memref<4x2048xf32, #tpu.memory_space<vmem>>) target(%dma_start3A_144 : memref<4x2048xf32, #tpu.memory_space<hbm>>) target_semaphore(%arg25 : memref<!tpu.dma_semaphore, #tpu.memory_space<semaphore_mem>>)
      %mul3A_145 = arith.constant 4 : i32
      %mul3A_146 = arith.muli %mul3A_93, %mul3A_145 : i32
      %add3A_147 = arith.addi %mul3A_2, %mul3A_146 : i32
      %dma_wait3A_148 = arith.constant 2 : i32
      %dma_wait3A_149 = arith.constant 0 : i32
      %dma_wait3A_150 = tpu.memref_slice %arg2[%dma_wait3A_148, %add3A_147, %dma_wait3A_149] : memref<4x4096x2048xf32, #tpu.memory_space<hbm>> -> memref<1x4x2048xf32, #tpu.memory_space<hbm>>
      %dma_wait3A_151 = tpu.memref_squeeze %dma_wait3A_150 : memref<1x4x2048xf32, #tpu.memory_space<hbm>> -> memref<4x2048xf32, #tpu.memory_space<hbm>>
      %dma_wait3A_152 = arith.constant 0 : i32
      %dma_wait3A_153 = tpu.memref_slice %arg2[%dma_wait3A_148, %add3A_147, %dma_wait3A_152] : memref<4x4096x2048xf32, #tpu.memory_space<hbm>> -> memref<1x4x2048xf32, #tpu.memory_space<hbm>>
      %dma_wait3A_154 = tpu.memref_squeeze %dma_wait3A_153 : memref<1x4x2048xf32, #tpu.memory_space<hbm>> -> memref<4x2048xf32, #tpu.memory_space<hbm>>
      tpu.wait_dma2 semaphore(%arg19 : memref<!tpu.dma_semaphore, #tpu.memory_space<semaphore_mem>>) src(%dma_wait3A_154 : memref<4x2048xf32, #tpu.memory_space<hbm>>) dst(%arg9 : memref<4x2048xf32, #tpu.memory_space<vmem>>)
      %parallel_loop3A_155 = arith.constant 0 : i32
      %parallel_loop3A_156 = arith.constant 4 : i32
      %parallel_loop3A_157 = arith.constant 1 : i32
      scf.for %parallel_loop3A_441 = %parallel_loop3A_155 to %parallel_loop3A_156 step %parallel_loop3A_157  : i32 {
        %parallel_loop3A_442 = arith.constant 0 : i32
        %parallel_loop3A_443 = arith.constant 128 : i32
        %parallel_loop3A_444 = arith.constant 1 : i32
        scf.for %parallel_loop3A_445 = %parallel_loop3A_442 to %parallel_loop3A_443 step %parallel_loop3A_444  : i32 {
          %parallel_loop3A_446 = arith.constant 16 : i32
          %parallel_loop3A_447 = arith.muli %parallel_loop3A_445, %parallel_loop3A_446 : i32
          %parallel_loop3A_448 = arith.index_cast %parallel_loop3A_441 : i32 to index
          %parallel_loop3A_449 = arith.index_cast %parallel_loop3A_447 : i32 to index
          %parallel_loop3A_450 = tpu.vector_load %arg9[%parallel_loop3A_448, %parallel_loop3A_449] {strides = array<i32>} : memref<4x2048xf32, #tpu.memory_space<vmem>>, vector<1x16xf32>,
          %parallel_loop3A_451 = vector.shape_cast %parallel_loop3A_450 : vector<1x16xf32> to vector<16xf32>
          %parallel_loop3A_452 = arith.index_cast %parallel_loop3A_441 : i32 to index
          %parallel_loop3A_453 = arith.index_cast %parallel_loop3A_447 : i32 to index
          %parallel_loop3A_454 = tpu.vector_load %arg13[%parallel_loop3A_452, %parallel_loop3A_453] {strides = array<i32>} : memref<4x2048xf32, #tpu.memory_space<vmem>>, vector<1x16xf32>,
          %parallel_loop3A_455 = vector.shape_cast %parallel_loop3A_454 : vector<1x16xf32> to vector<16xf32>
          %parallel_loop3A_456 = arith.addf %parallel_loop3A_451, %parallel_loop3A_455 : vector<16xf32>
          %parallel_loop3A_457 = arith.index_cast %parallel_loop3A_441 : i32 to index
          %parallel_loop3A_458 = arith.index_cast %parallel_loop3A_447 : i32 to index
          %parallel_loop3A_459 = tpu.vector_load %arg9[%parallel_loop3A_457, %parallel_loop3A_458] {strides = array<i32>} : memref<4x2048xf32, #tpu.memory_space<vmem>>, vector<1x16xf32>,
          %parallel_loop3A_460 = vector.shape_cast %parallel_loop3A_459 : vector<1x16xf32> to vector<16xf32>
          %parallel_loop3A_461 = vector.shape_cast %parallel_loop3A_456 : vector<16xf32> to vector<1x16xf32>
          tpu.vector_store %arg9[%parallel_loop3A_457, %parallel_loop3A_458], %parallel_loop3A_461 {strides = array<i32>} : memref<4x2048xf32, #tpu.memory_space<vmem>>, vector<1x16xf32>,
        } {sc.loop_unroll_factor = 8 : i64, sc.parallel_access}
      } {sc.loop_unroll_factor = 1 : i64, sc.parallel_access}
      %mul3A_158 = arith.constant 4 : i32
      %mul3A_159 = arith.muli %mul3A_93, %mul3A_158 : i32
      %add3A_160 = arith.addi %mul3A_2, %mul3A_159 : i32
      %dma_start3A_161 = arith.constant 2 : i32
      %dma_start3A_162 = arith.constant 0 : i32
      %dma_start3A_163 = tpu.memref_slice %arg4[%dma_start3A_161, %add3A_160, %dma_start3A_162] : memref<4x4096x2048xf32, #tpu.memory_space<hbm>> -> memref<1x4x2048xf32, #tpu.memory_space<hbm>>
      %dma_start3A_164 = tpu.memref_squeeze %dma_start3A_163 : memref<1x4x2048xf32, #tpu.memory_space<hbm>> -> memref<4x2048xf32, #tpu.memory_space<hbm>>
      %dma_start3A_165 = arith.constant 0 : i32
      %dma_start3A_166 = tpu.memref_slice %arg4[%dma_start3A_161, %add3A_160, %dma_start3A_165] : memref<4x4096x2048xf32, #tpu.memory_space<hbm>> -> memref<1x4x2048xf32, #tpu.memory_space<hbm>>
      %dma_start3A_167 = tpu.memref_squeeze %dma_start3A_166 : memref<1x4x2048xf32, #tpu.memory_space<hbm>> -> memref<4x2048xf32, #tpu.memory_space<hbm>>
      tpu.enqueue_dma source(%arg9 : memref<4x2048xf32, #tpu.memory_space<vmem>>) target(%dma_start3A_167 : memref<4x2048xf32, #tpu.memory_space<hbm>>) target_semaphore(%arg27 : memref<!tpu.dma_semaphore, #tpu.memory_space<semaphore_mem>>)
      %mul3A_168 = arith.constant 4 : i32
      %mul3A_169 = arith.muli %mul3A_93, %mul3A_168 : i32
      %add3A_170 = arith.addi %mul3A_2, %mul3A_169 : i32
      %dma_wait3A_171 = arith.constant 3 : i32
      %dma_wait3A_172 = arith.constant 0 : i32
      %dma_wait3A_173 = tpu.memref_slice %arg2[%dma_wait3A_171, %add3A_170, %dma_wait3A_172] : memref<4x4096x2048xf32, #tpu.memory_space<hbm>> -> memref<1x4x2048xf32, #tpu.memory_space<hbm>>
      %dma_wait3A_174 = tpu.memref_squeeze %dma_wait3A_173 : memref<1x4x2048xf32, #tpu.memory_space<hbm>> -> memref<4x2048xf32, #tpu.memory_space<hbm>>
      %dma_wait3A_175 = arith.constant 0 : i32
      %dma_wait3A_176 = tpu.memref_slice %arg2[%dma_wait3A_171, %add3A_170, %dma_wait3A_175] : memref<4x4096x2048xf32, #tpu.memory_space<hbm>> -> memref<1x4x2048xf32, #tpu.memory_space<hbm>>
      %dma_wait3A_177 = tpu.memref_squeeze %dma_wait3A_176 : memref<1x4x2048xf32, #tpu.memory_space<hbm>> -> memref<4x2048xf32, #tpu.memory_space<hbm>>
      tpu.wait_dma2 semaphore(%arg21 : memref<!tpu.dma_semaphore, #tpu.memory_space<semaphore_mem>>) src(%dma_wait3A_177 : memref<4x2048xf32, #tpu.memory_space<hbm>>) dst(%arg11 : memref<4x2048xf32, #tpu.memory_space<vmem>>)
      %parallel_loop3A_178 = arith.constant 0 : i32
      %parallel_loop3A_179 = arith.constant 4 : i32
      %parallel_loop3A_180 = arith.constant 1 : i32
      scf.for %parallel_loop3A_441 = %parallel_loop3A_178 to %parallel_loop3A_179 step %parallel_loop3A_180  : i32 {
        %parallel_loop3A_442 = arith.constant 0 : i32
        %parallel_loop3A_443 = arith.constant 128 : i32
        %parallel_loop3A_444 = arith.constant 1 : i32
        scf.for %parallel_loop3A_445 = %parallel_loop3A_442 to %parallel_loop3A_443 step %parallel_loop3A_444  : i32 {
          %parallel_loop3A_446 = arith.constant 16 : i32
          %parallel_loop3A_447 = arith.muli %parallel_loop3A_445, %parallel_loop3A_446 : i32
          %parallel_loop3A_448 = arith.index_cast %parallel_loop3A_441 : i32 to index
          %parallel_loop3A_449 = arith.index_cast %parallel_loop3A_447 : i32 to index
          %parallel_loop3A_450 = tpu.vector_load %arg11[%parallel_loop3A_448, %parallel_loop3A_449] {strides = array<i32>} : memref<4x2048xf32, #tpu.memory_space<vmem>>, vector<1x16xf32>,
          %parallel_loop3A_451 = vector.shape_cast %parallel_loop3A_450 : vector<1x16xf32> to vector<16xf32>
          %parallel_loop3A_452 = arith.index_cast %parallel_loop3A_441 : i32 to index
          %parallel_loop3A_453 = arith.index_cast %parallel_loop3A_447 : i32 to index
          %parallel_loop3A_454 = tpu.vector_load %arg13[%parallel_loop3A_452, %parallel_loop3A_453] {strides = array<i32>} : memref<4x2048xf32, #tpu.memory_space<vmem>>, vector<1x16xf32>,
          %parallel_loop3A_455 = vector.shape_cast %parallel_loop3A_454 : vector<1x16xf32> to vector<16xf32>
          %parallel_loop3A_456 = arith.addf %parallel_loop3A_451, %parallel_loop3A_455 : vector<16xf32>
          %parallel_loop3A_457 = arith.index_cast %parallel_loop3A_441 : i32 to index
          %parallel_loop3A_458 = arith.index_cast %parallel_loop3A_447 : i32 to index
          %parallel_loop3A_459 = tpu.vector_load %arg11[%parallel_loop3A_457, %parallel_loop3A_458] {strides = array<i32>} : memref<4x2048xf32, #tpu.memory_space<vmem>>, vector<1x16xf32>,
          %parallel_loop3A_460 = vector.shape_cast %parallel_loop3A_459 : vector<1x16xf32> to vector<16xf32>
          %parallel_loop3A_461 = vector.shape_cast %parallel_loop3A_456 : vector<16xf32> to vector<1x16xf32>
          tpu.vector_store %arg11[%parallel_loop3A_457, %parallel_loop3A_458], %parallel_loop3A_461 {strides = array<i32>} : memref<4x2048xf32, #tpu.memory_space<vmem>>, vector<1x16xf32>,
        } {sc.loop_unroll_factor = 8 : i64, sc.parallel_access}
      } {sc.loop_unroll_factor = 1 : i64, sc.parallel_access}
      %mul3A_181 = arith.constant 4 : i32
      %mul3A_182 = arith.muli %mul3A_93, %mul3A_181 : i32
      %add3A_183 = arith.addi %mul3A_2, %mul3A_182 : i32
      %dma_start3A_184 = arith.constant 3 : i32
      %dma_start3A_185 = arith.constant 0 : i32
      %dma_start3A_186 = tpu.memref_slice %arg4[%dma_start3A_184, %add3A_183, %dma_start3A_185] : memref<4x4096x2048xf32, #tpu.memory_space<hbm>> -> memref<1x4x2048xf32, #tpu.memory_space<hbm>>
      %dma_start3A_187 = tpu.memref_squeeze %dma_start3A_186 : memref<1x4x2048xf32, #tpu.memory_space<hbm>> -> memref<4x2048xf32, #tpu.memory_space<hbm>>
      %dma_start3A_188 = arith.constant 0 : i32
      %dma_start3A_189 = tpu.memref_slice %arg4[%dma_start3A_184, %add3A_183, %dma_start3A_188] : memref<4x4096x2048xf32, #tpu.memory_space<hbm>> -> memref<1x4x2048xf32, #tpu.memory_space<hbm>>
      %dma_start3A_190 = tpu.memref_squeeze %dma_start3A_189 : memref<1x4x2048xf32, #tpu.memory_space<hbm>> -> memref<4x2048xf32, #tpu.memory_space<hbm>>
      tpu.enqueue_dma source(%arg11 : memref<4x2048xf32, #tpu.memory_space<vmem>>) target(%dma_start3A_190 : memref<4x2048xf32, #tpu.memory_space<hbm>>) target_semaphore(%arg29 : memref<!tpu.dma_semaphore, #tpu.memory_space<semaphore_mem>>)
      %add3A_191 = arith.constant 2 : i32
      %add3A_192 = arith.addi %mul3A_93, %add3A_191 : i32
      %lt3A = arith.constant 32 : i32
      %lt3A_193 = arith.cmpi slt, %add3A_192, %lt3A : i32
      %convert_element_type3A = arith.extui %lt3A_193 : i1 to i32
      %cond3A = arith.constant 0 : i32
      %cond3A_194 = arith.cmpi ne, %convert_element_type3A, %cond3A : i32
      scf.if %cond3A_194 {
        %add3A_441 = arith.constant 2 : i32
        %add3A_442 = arith.addi %mul3A_93, %add3A_441 : i32
        %mul3A_443 = arith.constant 4 : i32
        %mul3A_444 = arith.muli %add3A_442, %mul3A_443 : i32
        %add3A_445 = arith.addi %mul3A_2, %mul3A_444 : i32
        %dma_start3A_446 = arith.constant 0 : i32
        %dma_start3A_447 = tpu.memref_slice %arg3[%add3A_445, %dma_start3A_446] : memref<8192x2048xf32, #tpu.memory_space<hbm>> -> memref<4x2048xf32, #tpu.memory_space<hbm>>
        %dma_start3A_448 = arith.constant 0 : i32
        %dma_start3A_449 = tpu.memref_slice %arg3[%add3A_445, %dma_start3A_448] : memref<8192x2048xf32, #tpu.memory_space<hbm>> -> memref<4x2048xf32, #tpu.memory_space<hbm>>
        tpu.enqueue_dma source(%dma_start3A_449 : memref<4x2048xf32, #tpu.memory_space<hbm>>) target(%arg13 : memref<4x2048xf32, #tpu.memory_space<vmem>>) target_semaphore(%arg31 : memref<!tpu.dma_semaphore, #tpu.memory_space<semaphore_mem>>)
      } else {
      }
      %add3A_195 = arith.constant 1 : i32
      %add3A_196 = arith.addi %mul3A_93, %add3A_195 : i32
      %mul3A_197 = arith.constant 4 : i32
      %mul3A_198 = arith.muli %add3A_196, %mul3A_197 : i32
      %add3A_199 = arith.addi %mul3A_2, %mul3A_198 : i32
      %dma_wait3A_200 = arith.constant 0 : i32
      %dma_wait3A_201 = tpu.memref_slice %arg3[%add3A_199, %dma_wait3A_200] : memref<8192x2048xf32, #tpu.memory_space<hbm>> -> memref<4x2048xf32, #tpu.memory_space<hbm>>
      %dma_wait3A_202 = arith.constant 0 : i32
      %dma_wait3A_203 = tpu.memref_slice %arg3[%add3A_199, %dma_wait3A_202] : memref<8192x2048xf32, #tpu.memory_space<hbm>> -> memref<4x2048xf32, #tpu.memory_space<hbm>>
      tpu.wait_dma2 semaphore(%arg32 : memref<!tpu.dma_semaphore, #tpu.memory_space<semaphore_mem>>) src(%dma_wait3A_203 : memref<4x2048xf32, #tpu.memory_space<hbm>>) dst(%arg14 : memref<4x2048xf32, #tpu.memory_space<vmem>>)
      %mul3A_204 = arith.constant 4 : i32
      %mul3A_205 = arith.muli %add3A_196, %mul3A_204 : i32
      %add3A_206 = arith.addi %mul3A_2, %mul3A_205 : i32
      %dma_wait3A_207 = arith.constant 0 : i32
      %dma_wait3A_208 = arith.constant 0 : i32
      %dma_wait3A_209 = tpu.memref_slice %arg2[%dma_wait3A_207, %add3A_206, %dma_wait3A_208] : memref<4x4096x2048xf32, #tpu.memory_space<hbm>> -> memref<1x4x2048xf32, #tpu.memory_space<hbm>>
      %dma_wait3A_210 = tpu.memref_squeeze %dma_wait3A_209 : memref<1x4x2048xf32, #tpu.memory_space<hbm>> -> memref<4x2048xf32, #tpu.memory_space<hbm>>
      %dma_wait3A_211 = arith.constant 0 : i32
      %dma_wait3A_212 = tpu.memref_slice %arg2[%dma_wait3A_207, %add3A_206, %dma_wait3A_211] : memref<4x4096x2048xf32, #tpu.memory_space<hbm>> -> memref<1x4x2048xf32, #tpu.memory_space<hbm>>
      %dma_wait3A_213 = tpu.memref_squeeze %dma_wait3A_212 : memref<1x4x2048xf32, #tpu.memory_space<hbm>> -> memref<4x2048xf32, #tpu.memory_space<hbm>>
      tpu.wait_dma2 semaphore(%arg16 : memref<!tpu.dma_semaphore, #tpu.memory_space<semaphore_mem>>) src(%dma_wait3A_213 : memref<4x2048xf32, #tpu.memory_space<hbm>>) dst(%arg6 : memref<4x2048xf32, #tpu.memory_space<vmem>>)
      %parallel_loop3A_214 = arith.constant 0 : i32
      %parallel_loop3A_215 = arith.constant 4 : i32
      %parallel_loop3A_216 = arith.constant 1 : i32
      scf.for %parallel_loop3A_441 = %parallel_loop3A_214 to %parallel_loop3A_215 step %parallel_loop3A_216  : i32 {
        %parallel_loop3A_442 = arith.constant 0 : i32
        %parallel_loop3A_443 = arith.constant 128 : i32
        %parallel_loop3A_444 = arith.constant 1 : i32
        scf.for %parallel_loop3A_445 = %parallel_loop3A_442 to %parallel_loop3A_443 step %parallel_loop3A_444  : i32 {
          %parallel_loop3A_446 = arith.constant 16 : i32
          %parallel_loop3A_447 = arith.muli %parallel_loop3A_445, %parallel_loop3A_446 : i32
          %parallel_loop3A_448 = arith.index_cast %parallel_loop3A_441 : i32 to index
          %parallel_loop3A_449 = arith.index_cast %parallel_loop3A_447 : i32 to index
          %parallel_loop3A_450 = tpu.vector_load %arg6[%parallel_loop3A_448, %parallel_loop3A_449] {strides = array<i32>} : memref<4x2048xf32, #tpu.memory_space<vmem>>, vector<1x16xf32>,
          %parallel_loop3A_451 = vector.shape_cast %parallel_loop3A_450 : vector<1x16xf32> to vector<16xf32>
          %parallel_loop3A_452 = arith.index_cast %parallel_loop3A_441 : i32 to index
          %parallel_loop3A_453 = arith.index_cast %parallel_loop3A_447 : i32 to index
          %parallel_loop3A_454 = tpu.vector_load %arg14[%parallel_loop3A_452, %parallel_loop3A_453] {strides = array<i32>} : memref<4x2048xf32, #tpu.memory_space<vmem>>, vector<1x16xf32>,
          %parallel_loop3A_455 = vector.shape_cast %parallel_loop3A_454 : vector<1x16xf32> to vector<16xf32>
          %parallel_loop3A_456 = arith.addf %parallel_loop3A_451, %parallel_loop3A_455 : vector<16xf32>
          %parallel_loop3A_457 = arith.index_cast %parallel_loop3A_441 : i32 to index
          %parallel_loop3A_458 = arith.index_cast %parallel_loop3A_447 : i32 to index
          %parallel_loop3A_459 = tpu.vector_load %arg6[%parallel_loop3A_457, %parallel_loop3A_458] {strides = array<i32>} : memref<4x2048xf32, #tpu.memory_space<vmem>>, vector<1x16xf32>,
          %parallel_loop3A_460 = vector.shape_cast %parallel_loop3A_459 : vector<1x16xf32> to vector<16xf32>
          %parallel_loop3A_461 = vector.shape_cast %parallel_loop3A_456 : vector<16xf32> to vector<1x16xf32>
          tpu.vector_store %arg6[%parallel_loop3A_457, %parallel_loop3A_458], %parallel_loop3A_461 {strides = array<i32>} : memref<4x2048xf32, #tpu.memory_space<vmem>>, vector<1x16xf32>,
        } {sc.loop_unroll_factor = 8 : i64, sc.parallel_access}
      } {sc.loop_unroll_factor = 1 : i64, sc.parallel_access}
      %mul3A_217 = arith.constant 4 : i32
      %mul3A_218 = arith.muli %add3A_196, %mul3A_217 : i32
      %add3A_219 = arith.addi %mul3A_2, %mul3A_218 : i32
      %dma_start3A_220 = arith.constant 0 : i32
      %dma_start3A_221 = arith.constant 0 : i32
      %dma_start3A_222 = tpu.memref_slice %arg4[%dma_start3A_220, %add3A_219, %dma_start3A_221] : memref<4x4096x2048xf32, #tpu.memory_space<hbm>> -> memref<1x4x2048xf32, #tpu.memory_space<hbm>>
      %dma_start3A_223 = tpu.memref_squeeze %dma_start3A_222 : memref<1x4x2048xf32, #tpu.memory_space<hbm>> -> memref<4x2048xf32, #tpu.memory_space<hbm>>
      %dma_start3A_224 = arith.constant 0 : i32
      %dma_start3A_225 = tpu.memref_slice %arg4[%dma_start3A_220, %add3A_219, %dma_start3A_224] : memref<4x4096x2048xf32, #tpu.memory_space<hbm>> -> memref<1x4x2048xf32, #tpu.memory_space<hbm>>
      %dma_start3A_226 = tpu.memref_squeeze %dma_start3A_225 : memref<1x4x2048xf32, #tpu.memory_space<hbm>> -> memref<4x2048xf32, #tpu.memory_space<hbm>>
      tpu.enqueue_dma source(%arg6 : memref<4x2048xf32, #tpu.memory_space<vmem>>) target(%dma_start3A_226 : memref<4x2048xf32, #tpu.memory_space<hbm>>) target_semaphore(%arg24 : memref<!tpu.dma_semaphore, #tpu.memory_space<semaphore_mem>>)
      %mul3A_227 = arith.constant 4 : i32
      %mul3A_228 = arith.muli %add3A_196, %mul3A_227 : i32
      %add3A_229 = arith.addi %mul3A_2, %mul3A_228 : i32
      %dma_wait3A_230 = arith.constant 1 : i32
      %dma_wait3A_231 = arith.constant 0 : i32
      %dma_wait3A_232 = tpu.memref_slice %arg2[%dma_wait3A_230, %add3A_229, %dma_wait3A_231] : memref<4x4096x2048xf32, #tpu.memory_space<hbm>> -> memref<1x4x2048xf32, #tpu.memory_space<hbm>>
      %dma_wait3A_233 = tpu.memref_squeeze %dma_wait3A_232 : memref<1x4x2048xf32, #tpu.memory_space<hbm>> -> memref<4x2048xf32, #tpu.memory_space<hbm>>
      %dma_wait3A_234 = arith.constant 0 : i32
      %dma_wait3A_235 = tpu.memref_slice %arg2[%dma_wait3A_230, %add3A_229, %dma_wait3A_234] : memref<4x4096x2048xf32, #tpu.memory_space<hbm>> -> memref<1x4x2048xf32, #tpu.memory_space<hbm>>
      %dma_wait3A_236 = tpu.memref_squeeze %dma_wait3A_235 : memref<1x4x2048xf32, #tpu.memory_space<hbm>> -> memref<4x2048xf32, #tpu.memory_space<hbm>>
      tpu.wait_dma2 semaphore(%arg18 : memref<!tpu.dma_semaphore, #tpu.memory_space<semaphore_mem>>) src(%dma_wait3A_236 : memref<4x2048xf32, #tpu.memory_space<hbm>>) dst(%arg8 : memref<4x2048xf32, #tpu.memory_space<vmem>>)
      %parallel_loop3A_237 = arith.constant 0 : i32
      %parallel_loop3A_238 = arith.constant 4 : i32
      %parallel_loop3A_239 = arith.constant 1 : i32
      scf.for %parallel_loop3A_441 = %parallel_loop3A_237 to %parallel_loop3A_238 step %parallel_loop3A_239  : i32 {
        %parallel_loop3A_442 = arith.constant 0 : i32
        %parallel_loop3A_443 = arith.constant 128 : i32
        %parallel_loop3A_444 = arith.constant 1 : i32
        scf.for %parallel_loop3A_445 = %parallel_loop3A_442 to %parallel_loop3A_443 step %parallel_loop3A_444  : i32 {
          %parallel_loop3A_446 = arith.constant 16 : i32
          %parallel_loop3A_447 = arith.muli %parallel_loop3A_445, %parallel_loop3A_446 : i32
          %parallel_loop3A_448 = arith.index_cast %parallel_loop3A_441 : i32 to index
          %parallel_loop3A_449 = arith.index_cast %parallel_loop3A_447 : i32 to index
          %parallel_loop3A_450 = tpu.vector_load %arg8[%parallel_loop3A_448, %parallel_loop3A_449] {strides = array<i32>} : memref<4x2048xf32, #tpu.memory_space<vmem>>, vector<1x16xf32>,
          %parallel_loop3A_451 = vector.shape_cast %parallel_loop3A_450 : vector<1x16xf32> to vector<16xf32>
          %parallel_loop3A_452 = arith.index_cast %parallel_loop3A_441 : i32 to index
          %parallel_loop3A_453 = arith.index_cast %parallel_loop3A_447 : i32 to index
          %parallel_loop3A_454 = tpu.vector_load %arg14[%parallel_loop3A_452, %parallel_loop3A_453] {strides = array<i32>} : memref<4x2048xf32, #tpu.memory_space<vmem>>, vector<1x16xf32>,
          %parallel_loop3A_455 = vector.shape_cast %parallel_loop3A_454 : vector<1x16xf32> to vector<16xf32>
          %parallel_loop3A_456 = arith.addf %parallel_loop3A_451, %parallel_loop3A_455 : vector<16xf32>
          %parallel_loop3A_457 = arith.index_cast %parallel_loop3A_441 : i32 to index
          %parallel_loop3A_458 = arith.index_cast %parallel_loop3A_447 : i32 to index
          %parallel_loop3A_459 = tpu.vector_load %arg8[%parallel_loop3A_457, %parallel_loop3A_458] {strides = array<i32>} : memref<4x2048xf32, #tpu.memory_space<vmem>>, vector<1x16xf32>,
          %parallel_loop3A_460 = vector.shape_cast %parallel_loop3A_459 : vector<1x16xf32> to vector<16xf32>
          %parallel_loop3A_461 = vector.shape_cast %parallel_loop3A_456 : vector<16xf32> to vector<1x16xf32>
          tpu.vector_store %arg8[%parallel_loop3A_457, %parallel_loop3A_458], %parallel_loop3A_461 {strides = array<i32>} : memref<4x2048xf32, #tpu.memory_space<vmem>>, vector<1x16xf32>,
        } {sc.loop_unroll_factor = 8 : i64, sc.parallel_access}
      } {sc.loop_unroll_factor = 1 : i64, sc.parallel_access}
      %mul3A_240 = arith.constant 4 : i32
      %mul3A_241 = arith.muli %add3A_196, %mul3A_240 : i32
      %add3A_242 = arith.addi %mul3A_2, %mul3A_241 : i32
      %dma_start3A_243 = arith.constant 1 : i32
      %dma_start3A_244 = arith.constant 0 : i32
      %dma_start3A_245 = tpu.memref_slice %arg4[%dma_start3A_243, %add3A_242, %dma_start3A_244] : memref<4x4096x2048xf32, #tpu.memory_space<hbm>> -> memref<1x4x2048xf32, #tpu.memory_space<hbm>>
      %dma_start3A_246 = tpu.memref_squeeze %dma_start3A_245 : memref<1x4x2048xf32, #tpu.memory_space<hbm>> -> memref<4x2048xf32, #tpu.memory_space<hbm>>
      %dma_start3A_247 = arith.constant 0 : i32
      %dma_start3A_248 = tpu.memref_slice %arg4[%dma_start3A_243, %add3A_242, %dma_start3A_247] : memref<4x4096x2048xf32, #tpu.memory_space<hbm>> -> memref<1x4x2048xf32, #tpu.memory_space<hbm>>
      %dma_start3A_249 = tpu.memref_squeeze %dma_start3A_248 : memref<1x4x2048xf32, #tpu.memory_space<hbm>> -> memref<4x2048xf32, #tpu.memory_space<hbm>>
      tpu.enqueue_dma source(%arg8 : memref<4x2048xf32, #tpu.memory_space<vmem>>) target(%dma_start3A_249 : memref<4x2048xf32, #tpu.memory_space<hbm>>) target_semaphore(%arg26 : memref<!tpu.dma_semaphore, #tpu.memory_space<semaphore_mem>>)
      %mul3A_250 = arith.constant 4 : i32
      %mul3A_251 = arith.muli %add3A_196, %mul3A_250 : i32
      %add3A_252 = arith.addi %mul3A_2, %mul3A_251 : i32
      %dma_wait3A_253 = arith.constant 2 : i32
      %dma_wait3A_254 = arith.constant 0 : i32
      %dma_wait3A_255 = tpu.memref_slice %arg2[%dma_wait3A_253, %add3A_252, %dma_wait3A_254] : memref<4x4096x2048xf32, #tpu.memory_space<hbm>> -> memref<1x4x2048xf32, #tpu.memory_space<hbm>>
      %dma_wait3A_256 = tpu.memref_squeeze %dma_wait3A_255 : memref<1x4x2048xf32, #tpu.memory_space<hbm>> -> memref<4x2048xf32, #tpu.memory_space<hbm>>
      %dma_wait3A_257 = arith.constant 0 : i32
      %dma_wait3A_258 = tpu.memref_slice %arg2[%dma_wait3A_253, %add3A_252, %dma_wait3A_257] : memref<4x4096x2048xf32, #tpu.memory_space<hbm>> -> memref<1x4x2048xf32, #tpu.memory_space<hbm>>
      %dma_wait3A_259 = tpu.memref_squeeze %dma_wait3A_258 : memref<1x4x2048xf32, #tpu.memory_space<hbm>> -> memref<4x2048xf32, #tpu.memory_space<hbm>>
      tpu.wait_dma2 semaphore(%arg20 : memref<!tpu.dma_semaphore, #tpu.memory_space<semaphore_mem>>) src(%dma_wait3A_259 : memref<4x2048xf32, #tpu.memory_space<hbm>>) dst(%arg10 : memref<4x2048xf32, #tpu.memory_space<vmem>>)
      %parallel_loop3A_260 = arith.constant 0 : i32
      %parallel_loop3A_261 = arith.constant 4 : i32
      %parallel_loop3A_262 = arith.constant 1 : i32
      scf.for %parallel_loop3A_441 = %parallel_loop3A_260 to %parallel_loop3A_261 step %parallel_loop3A_262  : i32 {
        %parallel_loop3A_442 = arith.constant 0 : i32
        %parallel_loop3A_443 = arith.constant 128 : i32
        %parallel_loop3A_444 = arith.constant 1 : i32
        scf.for %parallel_loop3A_445 = %parallel_loop3A_442 to %parallel_loop3A_443 step %parallel_loop3A_444  : i32 {
          %parallel_loop3A_446 = arith.constant 16 : i32
          %parallel_loop3A_447 = arith.muli %parallel_loop3A_445, %parallel_loop3A_446 : i32
          %parallel_loop3A_448 = arith.index_cast %parallel_loop3A_441 : i32 to index
          %parallel_loop3A_449 = arith.index_cast %parallel_loop3A_447 : i32 to index
          %parallel_loop3A_450 = tpu.vector_load %arg10[%parallel_loop3A_448, %parallel_loop3A_449] {strides = array<i32>} : memref<4x2048xf32, #tpu.memory_space<vmem>>, vector<1x16xf32>,
          %parallel_loop3A_451 = vector.shape_cast %parallel_loop3A_450 : vector<1x16xf32> to vector<16xf32>
          %parallel_loop3A_452 = arith.index_cast %parallel_loop3A_441 : i32 to index
          %parallel_loop3A_453 = arith.index_cast %parallel_loop3A_447 : i32 to index
          %parallel_loop3A_454 = tpu.vector_load %arg14[%parallel_loop3A_452, %parallel_loop3A_453] {strides = array<i32>} : memref<4x2048xf32, #tpu.memory_space<vmem>>, vector<1x16xf32>,
          %parallel_loop3A_455 = vector.shape_cast %parallel_loop3A_454 : vector<1x16xf32> to vector<16xf32>
          %parallel_loop3A_456 = arith.addf %parallel_loop3A_451, %parallel_loop3A_455 : vector<16xf32>
          %parallel_loop3A_457 = arith.index_cast %parallel_loop3A_441 : i32 to index
          %parallel_loop3A_458 = arith.index_cast %parallel_loop3A_447 : i32 to index
          %parallel_loop3A_459 = tpu.vector_load %arg10[%parallel_loop3A_457, %parallel_loop3A_458] {strides = array<i32>} : memref<4x2048xf32, #tpu.memory_space<vmem>>, vector<1x16xf32>,
          %parallel_loop3A_460 = vector.shape_cast %parallel_loop3A_459 : vector<1x16xf32> to vector<16xf32>
          %parallel_loop3A_461 = vector.shape_cast %parallel_loop3A_456 : vector<16xf32> to vector<1x16xf32>
          tpu.vector_store %arg10[%parallel_loop3A_457, %parallel_loop3A_458], %parallel_loop3A_461 {strides = array<i32>} : memref<4x2048xf32, #tpu.memory_space<vmem>>, vector<1x16xf32>,
        } {sc.loop_unroll_factor = 8 : i64, sc.parallel_access}
      } {sc.loop_unroll_factor = 1 : i64, sc.parallel_access}
      %mul3A_263 = arith.constant 4 : i32
      %mul3A_264 = arith.muli %add3A_196, %mul3A_263 : i32
      %add3A_265 = arith.addi %mul3A_2, %mul3A_264 : i32
      %dma_start3A_266 = arith.constant 2 : i32
      %dma_start3A_267 = arith.constant 0 : i32
      %dma_start3A_268 = tpu.memref_slice %arg4[%dma_start3A_266, %add3A_265, %dma_start3A_267] : memref<4x4096x2048xf32, #tpu.memory_space<hbm>> -> memref<1x4x2048xf32, #tpu.memory_space<hbm>>
      %dma_start3A_269 = tpu.memref_squeeze %dma_start3A_268 : memref<1x4x2048xf32, #tpu.memory_space<hbm>> -> memref<4x2048xf32, #tpu.memory_space<hbm>>
      %dma_start3A_270 = arith.constant 0 : i32
      %dma_start3A_271 = tpu.memref_slice %arg4[%dma_start3A_266, %add3A_265, %dma_start3A_270] : memref<4x4096x2048xf32, #tpu.memory_space<hbm>> -> memref<1x4x2048xf32, #tpu.memory_space<hbm>>
      %dma_start3A_272 = tpu.memref_squeeze %dma_start3A_271 : memref<1x4x2048xf32, #tpu.memory_space<hbm>> -> memref<4x2048xf32, #tpu.memory_space<hbm>>
      tpu.enqueue_dma source(%arg10 : memref<4x2048xf32, #tpu.memory_space<vmem>>) target(%dma_start3A_272 : memref<4x2048xf32, #tpu.memory_space<hbm>>) target_semaphore(%arg28 : memref<!tpu.dma_semaphore, #tpu.memory_space<semaphore_mem>>)
      %mul3A_273 = arith.constant 4 : i32
      %mul3A_274 = arith.muli %add3A_196, %mul3A_273 : i32
      %add3A_275 = arith.addi %mul3A_2, %mul3A_274 : i32
      %dma_wait3A_276 = arith.constant 3 : i32
      %dma_wait3A_277 = arith.constant 0 : i32
      %dma_wait3A_278 = tpu.memref_slice %arg2[%dma_wait3A_276, %add3A_275, %dma_wait3A_277] : memref<4x4096x2048xf32, #tpu.memory_space<hbm>> -> memref<1x4x2048xf32, #tpu.memory_space<hbm>>
      %dma_wait3A_279 = tpu.memref_squeeze %dma_wait3A_278 : memref<1x4x2048xf32, #tpu.memory_space<hbm>> -> memref<4x2048xf32, #tpu.memory_space<hbm>>
      %dma_wait3A_280 = arith.constant 0 : i32
      %dma_wait3A_281 = tpu.memref_slice %arg2[%dma_wait3A_276, %add3A_275, %dma_wait3A_280] : memref<4x4096x2048xf32, #tpu.memory_space<hbm>> -> memref<1x4x2048xf32, #tpu.memory_space<hbm>>
      %dma_wait3A_282 = tpu.memref_squeeze %dma_wait3A_281 : memref<1x4x2048xf32, #tpu.memory_space<hbm>> -> memref<4x2048xf32, #tpu.memory_space<hbm>>
      tpu.wait_dma2 semaphore(%arg22 : memref<!tpu.dma_semaphore, #tpu.memory_space<semaphore_mem>>) src(%dma_wait3A_282 : memref<4x2048xf32, #tpu.memory_space<hbm>>) dst(%arg12 : memref<4x2048xf32, #tpu.memory_space<vmem>>)
      %parallel_loop3A_283 = arith.constant 0 : i32
      %parallel_loop3A_284 = arith.constant 4 : i32
      %parallel_loop3A_285 = arith.constant 1 : i32
      scf.for %parallel_loop3A_441 = %parallel_loop3A_283 to %parallel_loop3A_284 step %parallel_loop3A_285  : i32 {
        %parallel_loop3A_442 = arith.constant 0 : i32
        %parallel_loop3A_443 = arith.constant 128 : i32
        %parallel_loop3A_444 = arith.constant 1 : i32
        scf.for %parallel_loop3A_445 = %parallel_loop3A_442 to %parallel_loop3A_443 step %parallel_loop3A_444  : i32 {
          %parallel_loop3A_446 = arith.constant 16 : i32
          %parallel_loop3A_447 = arith.muli %parallel_loop3A_445, %parallel_loop3A_446 : i32
          %parallel_loop3A_448 = arith.index_cast %parallel_loop3A_441 : i32 to index
          %parallel_loop3A_449 = arith.index_cast %parallel_loop3A_447 : i32 to index
          %parallel_loop3A_450 = tpu.vector_load %arg12[%parallel_loop3A_448, %parallel_loop3A_449] {strides = array<i32>} : memref<4x2048xf32, #tpu.memory_space<vmem>>, vector<1x16xf32>,
          %parallel_loop3A_451 = vector.shape_cast %parallel_loop3A_450 : vector<1x16xf32> to vector<16xf32>
          %parallel_loop3A_452 = arith.index_cast %parallel_loop3A_441 : i32 to index
          %parallel_loop3A_453 = arith.index_cast %parallel_loop3A_447 : i32 to index
          %parallel_loop3A_454 = tpu.vector_load %arg14[%parallel_loop3A_452, %parallel_loop3A_453] {strides = array<i32>} : memref<4x2048xf32, #tpu.memory_space<vmem>>, vector<1x16xf32>,
          %parallel_loop3A_455 = vector.shape_cast %parallel_loop3A_454 : vector<1x16xf32> to vector<16xf32>
          %parallel_loop3A_456 = arith.addf %parallel_loop3A_451, %parallel_loop3A_455 : vector<16xf32>
          %parallel_loop3A_457 = arith.index_cast %parallel_loop3A_441 : i32 to index
          %parallel_loop3A_458 = arith.index_cast %parallel_loop3A_447 : i32 to index
          %parallel_loop3A_459 = tpu.vector_load %arg12[%parallel_loop3A_457, %parallel_loop3A_458] {strides = array<i32>} : memref<4x2048xf32, #tpu.memory_space<vmem>>, vector<1x16xf32>,
          %parallel_loop3A_460 = vector.shape_cast %parallel_loop3A_459 : vector<1x16xf32> to vector<16xf32>
          %parallel_loop3A_461 = vector.shape_cast %parallel_loop3A_456 : vector<16xf32> to vector<1x16xf32>
          tpu.vector_store %arg12[%parallel_loop3A_457, %parallel_loop3A_458], %parallel_loop3A_461 {strides = array<i32>} : memref<4x2048xf32, #tpu.memory_space<vmem>>, vector<1x16xf32>,
        } {sc.loop_unroll_factor = 8 : i64, sc.parallel_access}
      } {sc.loop_unroll_factor = 1 : i64, sc.parallel_access}
      %mul3A_286 = arith.constant 4 : i32
      %mul3A_287 = arith.muli %add3A_196, %mul3A_286 : i32
      %add3A_288 = arith.addi %mul3A_2, %mul3A_287 : i32
      %dma_start3A_289 = arith.constant 3 : i32
      %dma_start3A_290 = arith.constant 0 : i32
      %dma_start3A_291 = tpu.memref_slice %arg4[%dma_start3A_289, %add3A_288, %dma_start3A_290] : memref<4x4096x2048xf32, #tpu.memory_space<hbm>> -> memref<1x4x2048xf32, #tpu.memory_space<hbm>>
      %dma_start3A_292 = tpu.memref_squeeze %dma_start3A_291 : memref<1x4x2048xf32, #tpu.memory_space<hbm>> -> memref<4x2048xf32, #tpu.memory_space<hbm>>
      %dma_start3A_293 = arith.constant 0 : i32
      %dma_start3A_294 = tpu.memref_slice %arg4[%dma_start3A_289, %add3A_288, %dma_start3A_293] : memref<4x4096x2048xf32, #tpu.memory_space<hbm>> -> memref<1x4x2048xf32, #tpu.memory_space<hbm>>
      %dma_start3A_295 = tpu.memref_squeeze %dma_start3A_294 : memref<1x4x2048xf32, #tpu.memory_space<hbm>> -> memref<4x2048xf32, #tpu.memory_space<hbm>>
      tpu.enqueue_dma source(%arg12 : memref<4x2048xf32, #tpu.memory_space<vmem>>) target(%dma_start3A_295 : memref<4x2048xf32, #tpu.memory_space<hbm>>) target_semaphore(%arg30 : memref<!tpu.dma_semaphore, #tpu.memory_space<semaphore_mem>>)
      %add3A_296 = arith.constant 2 : i32
      %add3A_297 = arith.addi %add3A_196, %add3A_296 : i32
      %lt3A_298 = arith.constant 32 : i32
      %lt3A_299 = arith.cmpi slt, %add3A_297, %lt3A_298 : i32
      %convert_element_type3A_300 = arith.extui %lt3A_299 : i1 to i32
      %cond3A_301 = arith.constant 0 : i32
      %cond3A_302 = arith.cmpi ne, %convert_element_type3A_300, %cond3A_301 : i32
      scf.if %cond3A_302 {
        %add3A_441 = arith.constant 2 : i32
        %add3A_442 = arith.addi %add3A_196, %add3A_441 : i32
        %mul3A_443 = arith.constant 4 : i32
        %mul3A_444 = arith.muli %add3A_442, %mul3A_443 : i32
        %add3A_445 = arith.addi %mul3A_2, %mul3A_444 : i32
        %dma_start3A_446 = arith.constant 0 : i32
        %dma_start3A_447 = tpu.memref_slice %arg3[%add3A_445, %dma_start3A_446] : memref<8192x2048xf32, #tpu.memory_space<hbm>> -> memref<4x2048xf32, #tpu.memory_space<hbm>>
        %dma_start3A_448 = arith.constant 0 : i32
        %dma_start3A_449 = tpu.memref_slice %arg3[%add3A_445, %dma_start3A_448] : memref<8192x2048xf32, #tpu.memory_space<hbm>> -> memref<4x2048xf32, #tpu.memory_space<hbm>>
        tpu.enqueue_dma source(%dma_start3A_449 : memref<4x2048xf32, #tpu.memory_space<hbm>>) target(%arg14 : memref<4x2048xf32, #tpu.memory_space<vmem>>) target_semaphore(%arg32 : memref<!tpu.dma_semaphore, #tpu.memory_space<semaphore_mem>>)
      } else {
      }
      %mul3A_303 = arith.constant 4 : i32
      %mul3A_304 = arith.muli %mul3A_93, %mul3A_303 : i32
      %add3A_305 = arith.addi %mul3A_2, %mul3A_304 : i32
      %dma_wait3A_306 = arith.constant 0 : i32
      %dma_wait3A_307 = arith.constant 0 : i32
      %dma_wait3A_308 = tpu.memref_slice %arg4[%dma_wait3A_306, %add3A_305, %dma_wait3A_307] : memref<4x4096x2048xf32, #tpu.memory_space<hbm>> -> memref<1x4x2048xf32, #tpu.memory_space<hbm>>
      %dma_wait3A_309 = tpu.memref_squeeze %dma_wait3A_308 : memref<1x4x2048xf32, #tpu.memory_space<hbm>> -> memref<4x2048xf32, #tpu.memory_space<hbm>>
      %dma_wait3A_310 = arith.constant 0 : i32
      %dma_wait3A_311 = tpu.memref_slice %arg4[%dma_wait3A_306, %add3A_305, %dma_wait3A_310] : memref<4x4096x2048xf32, #tpu.memory_space<hbm>> -> memref<1x4x2048xf32, #tpu.memory_space<hbm>>
      %dma_wait3A_312 = tpu.memref_squeeze %dma_wait3A_311 : memref<1x4x2048xf32, #tpu.memory_space<hbm>> -> memref<4x2048xf32, #tpu.memory_space<hbm>>
      tpu.wait_dma2 semaphore(%arg23 : memref<!tpu.dma_semaphore, #tpu.memory_space<semaphore_mem>>) src(%arg5 : memref<4x2048xf32, #tpu.memory_space<vmem>>) dst(%dma_wait3A_312 : memref<4x2048xf32, #tpu.memory_space<hbm>>)
      %add3A_313 = arith.constant 2 : i32
      %add3A_314 = arith.addi %mul3A_93, %add3A_313 : i32
      %lt3A_315 = arith.constant 32 : i32
      %lt3A_316 = arith.cmpi slt, %add3A_314, %lt3A_315 : i32
      %convert_element_type3A_317 = arith.extui %lt3A_316 : i1 to i32
      %cond3A_318 = arith.constant 0 : i32
      %cond3A_319 = arith.cmpi ne, %convert_element_type3A_317, %cond3A_318 : i32
      scf.if %cond3A_319 {
        %add3A_441 = arith.constant 2 : i32
        %add3A_442 = arith.addi %mul3A_93, %add3A_441 : i32
        %mul3A_443 = arith.constant 4 : i32
        %mul3A_444 = arith.muli %add3A_442, %mul3A_443 : i32
        %add3A_445 = arith.addi %mul3A_2, %mul3A_444 : i32
        %dma_start3A_446 = arith.constant 0 : i32
        %dma_start3A_447 = arith.constant 0 : i32
        %dma_start3A_448 = tpu.memref_slice %arg2[%dma_start3A_446, %add3A_445, %dma_start3A_447] : memref<4x4096x2048xf32, #tpu.memory_space<hbm>> -> memref<1x4x2048xf32, #tpu.memory_space<hbm>>
        %dma_start3A_449 = tpu.memref_squeeze %dma_start3A_448 : memref<1x4x2048xf32, #tpu.memory_space<hbm>> -> memref<4x2048xf32, #tpu.memory_space<hbm>>
        %dma_start3A_450 = arith.constant 0 : i32
        %dma_start3A_451 = tpu.memref_slice %arg2[%dma_start3A_446, %add3A_445, %dma_start3A_450] : memref<4x4096x2048xf32, #tpu.memory_space<hbm>> -> memref<1x4x2048xf32, #tpu.memory_space<hbm>>
        %dma_start3A_452 = tpu.memref_squeeze %dma_start3A_451 : memref<1x4x2048xf32, #tpu.memory_space<hbm>> -> memref<4x2048xf32, #tpu.memory_space<hbm>>
        tpu.enqueue_dma source(%dma_start3A_452 : memref<4x2048xf32, #tpu.memory_space<hbm>>) target(%arg5 : memref<4x2048xf32, #tpu.memory_space<vmem>>) target_semaphore(%arg15 : memref<!tpu.dma_semaphore, #tpu.memory_space<semaphore_mem>>)
      } else {
      }
      %mul3A_320 = arith.constant 4 : i32
      %mul3A_321 = arith.muli %mul3A_93, %mul3A_320 : i32
      %add3A_322 = arith.addi %mul3A_2, %mul3A_321 : i32
      %dma_wait3A_323 = arith.constant 1 : i32
      %dma_wait3A_324 = arith.constant 0 : i32
      %dma_wait3A_325 = tpu.memref_slice %arg4[%dma_wait3A_323, %add3A_322, %dma_wait3A_324] : memref<4x4096x2048xf32, #tpu.memory_space<hbm>> -> memref<1x4x2048xf32, #tpu.memory_space<hbm>>
      %dma_wait3A_326 = tpu.memref_squeeze %dma_wait3A_325 : memref<1x4x2048xf32, #tpu.memory_space<hbm>> -> memref<4x2048xf32, #tpu.memory_space<hbm>>
      %dma_wait3A_327 = arith.constant 0 : i32
      %dma_wait3A_328 = tpu.memref_slice %arg4[%dma_wait3A_323, %add3A_322, %dma_wait3A_327] : memref<4x4096x2048xf32, #tpu.memory_space<hbm>> -> memref<1x4x2048xf32, #tpu.memory_space<hbm>>
      %dma_wait3A_329 = tpu.memref_squeeze %dma_wait3A_328 : memref<1x4x2048xf32, #tpu.memory_space<hbm>> -> memref<4x2048xf32, #tpu.memory_space<hbm>>
      tpu.wait_dma2 semaphore(%arg25 : memref<!tpu.dma_semaphore, #tpu.memory_space<semaphore_mem>>) src(%arg7 : memref<4x2048xf32, #tpu.memory_space<vmem>>) dst(%dma_wait3A_329 : memref<4x2048xf32, #tpu.memory_space<hbm>>)
      %add3A_330 = arith.constant 2 : i32
      %add3A_331 = arith.addi %mul3A_93, %add3A_330 : i32
      %lt3A_332 = arith.constant 32 : i32
      %lt3A_333 = arith.cmpi slt, %add3A_331, %lt3A_332 : i32
      %convert_element_type3A_334 = arith.extui %lt3A_333 : i1 to i32
      %cond3A_335 = arith.constant 0 : i32
      %cond3A_336 = arith.cmpi ne, %convert_element_type3A_334, %cond3A_335 : i32
      scf.if %cond3A_336 {
        %add3A_441 = arith.constant 2 : i32
        %add3A_442 = arith.addi %mul3A_93, %add3A_441 : i32
        %mul3A_443 = arith.constant 4 : i32
        %mul3A_444 = arith.muli %add3A_442, %mul3A_443 : i32
        %add3A_445 = arith.addi %mul3A_2, %mul3A_444 : i32
        %dma_start3A_446 = arith.constant 1 : i32
        %dma_start3A_447 = arith.constant 0 : i32
        %dma_start3A_448 = tpu.memref_slice %arg2[%dma_start3A_446, %add3A_445, %dma_start3A_447] : memref<4x4096x2048xf32, #tpu.memory_space<hbm>> -> memref<1x4x2048xf32, #tpu.memory_space<hbm>>
        %dma_start3A_449 = tpu.memref_squeeze %dma_start3A_448 : memref<1x4x2048xf32, #tpu.memory_space<hbm>> -> memref<4x2048xf32, #tpu.memory_space<hbm>>
        %dma_start3A_450 = arith.constant 0 : i32
        %dma_start3A_451 = tpu.memref_slice %arg2[%dma_start3A_446, %add3A_445, %dma_start3A_450] : memref<4x4096x2048xf32, #tpu.memory_space<hbm>> -> memref<1x4x2048xf32, #tpu.memory_space<hbm>>
        %dma_start3A_452 = tpu.memref_squeeze %dma_start3A_451 : memref<1x4x2048xf32, #tpu.memory_space<hbm>> -> memref<4x2048xf32, #tpu.memory_space<hbm>>
        tpu.enqueue_dma source(%dma_start3A_452 : memref<4x2048xf32, #tpu.memory_space<hbm>>) target(%arg7 : memref<4x2048xf32, #tpu.memory_space<vmem>>) target_semaphore(%arg17 : memref<!tpu.dma_semaphore, #tpu.memory_space<semaphore_mem>>)
      } else {
      }
      %mul3A_337 = arith.constant 4 : i32
      %mul3A_338 = arith.muli %mul3A_93, %mul3A_337 : i32
      %add3A_339 = arith.addi %mul3A_2, %mul3A_338 : i32
      %dma_wait3A_340 = arith.constant 2 : i32
      %dma_wait3A_341 = arith.constant 0 : i32
      %dma_wait3A_342 = tpu.memref_slice %arg4[%dma_wait3A_340, %add3A_339, %dma_wait3A_341] : memref<4x4096x2048xf32, #tpu.memory_space<hbm>> -> memref<1x4x2048xf32, #tpu.memory_space<hbm>>
      %dma_wait3A_343 = tpu.memref_squeeze %dma_wait3A_342 : memref<1x4x2048xf32, #tpu.memory_space<hbm>> -> memref<4x2048xf32, #tpu.memory_space<hbm>>
      %dma_wait3A_344 = arith.constant 0 : i32
      %dma_wait3A_345 = tpu.memref_slice %arg4[%dma_wait3A_340, %add3A_339, %dma_wait3A_344] : memref<4x4096x2048xf32, #tpu.memory_space<hbm>> -> memref<1x4x2048xf32, #tpu.memory_space<hbm>>
      %dma_wait3A_346 = tpu.memref_squeeze %dma_wait3A_345 : memref<1x4x2048xf32, #tpu.memory_space<hbm>> -> memref<4x2048xf32, #tpu.memory_space<hbm>>
      tpu.wait_dma2 semaphore(%arg27 : memref<!tpu.dma_semaphore, #tpu.memory_space<semaphore_mem>>) src(%arg9 : memref<4x2048xf32, #tpu.memory_space<vmem>>) dst(%dma_wait3A_346 : memref<4x2048xf32, #tpu.memory_space<hbm>>)
      %add3A_347 = arith.constant 2 : i32
      %add3A_348 = arith.addi %mul3A_93, %add3A_347 : i32
      %lt3A_349 = arith.constant 32 : i32
      %lt3A_350 = arith.cmpi slt, %add3A_348, %lt3A_349 : i32
      %convert_element_type3A_351 = arith.extui %lt3A_350 : i1 to i32
      %cond3A_352 = arith.constant 0 : i32
      %cond3A_353 = arith.cmpi ne, %convert_element_type3A_351, %cond3A_352 : i32
      scf.if %cond3A_353 {
        %add3A_441 = arith.constant 2 : i32
        %add3A_442 = arith.addi %mul3A_93, %add3A_441 : i32
        %mul3A_443 = arith.constant 4 : i32
        %mul3A_444 = arith.muli %add3A_442, %mul3A_443 : i32
        %add3A_445 = arith.addi %mul3A_2, %mul3A_444 : i32
        %dma_start3A_446 = arith.constant 2 : i32
        %dma_start3A_447 = arith.constant 0 : i32
        %dma_start3A_448 = tpu.memref_slice %arg2[%dma_start3A_446, %add3A_445, %dma_start3A_447] : memref<4x4096x2048xf32, #tpu.memory_space<hbm>> -> memref<1x4x2048xf32, #tpu.memory_space<hbm>>
        %dma_start3A_449 = tpu.memref_squeeze %dma_start3A_448 : memref<1x4x2048xf32, #tpu.memory_space<hbm>> -> memref<4x2048xf32, #tpu.memory_space<hbm>>
        %dma_start3A_450 = arith.constant 0 : i32
        %dma_start3A_451 = tpu.memref_slice %arg2[%dma_start3A_446, %add3A_445, %dma_start3A_450] : memref<4x4096x2048xf32, #tpu.memory_space<hbm>> -> memref<1x4x2048xf32, #tpu.memory_space<hbm>>
        %dma_start3A_452 = tpu.memref_squeeze %dma_start3A_451 : memref<1x4x2048xf32, #tpu.memory_space<hbm>> -> memref<4x2048xf32, #tpu.memory_space<hbm>>
        tpu.enqueue_dma source(%dma_start3A_452 : memref<4x2048xf32, #tpu.memory_space<hbm>>) target(%arg9 : memref<4x2048xf32, #tpu.memory_space<vmem>>) target_semaphore(%arg19 : memref<!tpu.dma_semaphore, #tpu.memory_space<semaphore_mem>>)
      } else {
      }
      %mul3A_354 = arith.constant 4 : i32
      %mul3A_355 = arith.muli %mul3A_93, %mul3A_354 : i32
      %add3A_356 = arith.addi %mul3A_2, %mul3A_355 : i32
      %dma_wait3A_357 = arith.constant 3 : i32
      %dma_wait3A_358 = arith.constant 0 : i32
      %dma_wait3A_359 = tpu.memref_slice %arg4[%dma_wait3A_357, %add3A_356, %dma_wait3A_358] : memref<4x4096x2048xf32, #tpu.memory_space<hbm>> -> memref<1x4x2048xf32, #tpu.memory_space<hbm>>
      %dma_wait3A_360 = tpu.memref_squeeze %dma_wait3A_359 : memref<1x4x2048xf32, #tpu.memory_space<hbm>> -> memref<4x2048xf32, #tpu.memory_space<hbm>>
      %dma_wait3A_361 = arith.constant 0 : i32
      %dma_wait3A_362 = tpu.memref_slice %arg4[%dma_wait3A_357, %add3A_356, %dma_wait3A_361] : memref<4x4096x2048xf32, #tpu.memory_space<hbm>> -> memref<1x4x2048xf32, #tpu.memory_space<hbm>>
      %dma_wait3A_363 = tpu.memref_squeeze %dma_wait3A_362 : memref<1x4x2048xf32, #tpu.memory_space<hbm>> -> memref<4x2048xf32, #tpu.memory_space<hbm>>
      tpu.wait_dma2 semaphore(%arg29 : memref<!tpu.dma_semaphore, #tpu.memory_space<semaphore_mem>>) src(%arg11 : memref<4x2048xf32, #tpu.memory_space<vmem>>) dst(%dma_wait3A_363 : memref<4x2048xf32, #tpu.memory_space<hbm>>)
      %add3A_364 = arith.constant 2 : i32
      %add3A_365 = arith.addi %mul3A_93, %add3A_364 : i32
      %lt3A_366 = arith.constant 32 : i32
      %lt3A_367 = arith.cmpi slt, %add3A_365, %lt3A_366 : i32
      %convert_element_type3A_368 = arith.extui %lt3A_367 : i1 to i32
      %cond3A_369 = arith.constant 0 : i32
      %cond3A_370 = arith.cmpi ne, %convert_element_type3A_368, %cond3A_369 : i32
      scf.if %cond3A_370 {
        %add3A_441 = arith.constant 2 : i32
        %add3A_442 = arith.addi %mul3A_93, %add3A_441 : i32
        %mul3A_443 = arith.constant 4 : i32
        %mul3A_444 = arith.muli %add3A_442, %mul3A_443 : i32
        %add3A_445 = arith.addi %mul3A_2, %mul3A_444 : i32
        %dma_start3A_446 = arith.constant 3 : i32
        %dma_start3A_447 = arith.constant 0 : i32
        %dma_start3A_448 = tpu.memref_slice %arg2[%dma_start3A_446, %add3A_445, %dma_start3A_447] : memref<4x4096x2048xf32, #tpu.memory_space<hbm>> -> memref<1x4x2048xf32, #tpu.memory_space<hbm>>
        %dma_start3A_449 = tpu.memref_squeeze %dma_start3A_448 : memref<1x4x2048xf32, #tpu.memory_space<hbm>> -> memref<4x2048xf32, #tpu.memory_space<hbm>>
        %dma_start3A_450 = arith.constant 0 : i32
        %dma_start3A_451 = tpu.memref_slice %arg2[%dma_start3A_446, %add3A_445, %dma_start3A_450] : memref<4x4096x2048xf32, #tpu.memory_space<hbm>> -> memref<1x4x2048xf32, #tpu.memory_space<hbm>>
        %dma_start3A_452 = tpu.memref_squeeze %dma_start3A_451 : memref<1x4x2048xf32, #tpu.memory_space<hbm>> -> memref<4x2048xf32, #tpu.memory_space<hbm>>
        tpu.enqueue_dma source(%dma_start3A_452 : memref<4x2048xf32, #tpu.memory_space<hbm>>) target(%arg11 : memref<4x2048xf32, #tpu.memory_space<vmem>>) target_semaphore(%arg21 : memref<!tpu.dma_semaphore, #tpu.memory_space<semaphore_mem>>)
      } else {
      }
      %add3A_371 = arith.constant 1 : i32
      %add3A_372 = arith.addi %mul3A_93, %add3A_371 : i32
      %mul3A_373 = arith.constant 4 : i32
      %mul3A_374 = arith.muli %add3A_372, %mul3A_373 : i32
      %add3A_375 = arith.addi %mul3A_2, %mul3A_374 : i32
      %dma_wait3A_376 = arith.constant 0 : i32
      %dma_wait3A_377 = arith.constant 0 : i32
      %dma_wait3A_378 = tpu.memref_slice %arg4[%dma_wait3A_376, %add3A_375, %dma_wait3A_377] : memref<4x4096x2048xf32, #tpu.memory_space<hbm>> -> memref<1x4x2048xf32, #tpu.memory_space<hbm>>
      %dma_wait3A_379 = tpu.memref_squeeze %dma_wait3A_378 : memref<1x4x2048xf32, #tpu.memory_space<hbm>> -> memref<4x2048xf32, #tpu.memory_space<hbm>>
      %dma_wait3A_380 = arith.constant 0 : i32
      %dma_wait3A_381 = tpu.memref_slice %arg4[%dma_wait3A_376, %add3A_375, %dma_wait3A_380] : memref<4x4096x2048xf32, #tpu.memory_space<hbm>> -> memref<1x4x2048xf32, #tpu.memory_space<hbm>>
      %dma_wait3A_382 = tpu.memref_squeeze %dma_wait3A_381 : memref<1x4x2048xf32, #tpu.memory_space<hbm>> -> memref<4x2048xf32, #tpu.memory_space<hbm>>
      tpu.wait_dma2 semaphore(%arg24 : memref<!tpu.dma_semaphore, #tpu.memory_space<semaphore_mem>>) src(%arg6 : memref<4x2048xf32, #tpu.memory_space<vmem>>) dst(%dma_wait3A_382 : memref<4x2048xf32, #tpu.memory_space<hbm>>)
      %add3A_383 = arith.constant 2 : i32
      %add3A_384 = arith.addi %add3A_372, %add3A_383 : i32
      %lt3A_385 = arith.constant 32 : i32
      %lt3A_386 = arith.cmpi slt, %add3A_384, %lt3A_385 : i32
      %convert_element_type3A_387 = arith.extui %lt3A_386 : i1 to i32
      %cond3A_388 = arith.constant 0 : i32
      %cond3A_389 = arith.cmpi ne, %convert_element_type3A_387, %cond3A_388 : i32
      scf.if %cond3A_389 {
        %add3A_441 = arith.constant 2 : i32
        %add3A_442 = arith.addi %add3A_372, %add3A_441 : i32
        %mul3A_443 = arith.constant 4 : i32
        %mul3A_444 = arith.muli %add3A_442, %mul3A_443 : i32
        %add3A_445 = arith.addi %mul3A_2, %mul3A_444 : i32
        %dma_start3A_446 = arith.constant 0 : i32
        %dma_start3A_447 = arith.constant 0 : i32
        %dma_start3A_448 = tpu.memref_slice %arg2[%dma_start3A_446, %add3A_445, %dma_start3A_447] : memref<4x4096x2048xf32, #tpu.memory_space<hbm>> -> memref<1x4x2048xf32, #tpu.memory_space<hbm>>
        %dma_start3A_449 = tpu.memref_squeeze %dma_start3A_448 : memref<1x4x2048xf32, #tpu.memory_space<hbm>> -> memref<4x2048xf32, #tpu.memory_space<hbm>>
        %dma_start3A_450 = arith.constant 0 : i32
        %dma_start3A_451 = tpu.memref_slice %arg2[%dma_start3A_446, %add3A_445, %dma_start3A_450] : memref<4x4096x2048xf32, #tpu.memory_space<hbm>> -> memref<1x4x2048xf32, #tpu.memory_space<hbm>>
        %dma_start3A_452 = tpu.memref_squeeze %dma_start3A_451 : memref<1x4x2048xf32, #tpu.memory_space<hbm>> -> memref<4x2048xf32, #tpu.memory_space<hbm>>
        tpu.enqueue_dma source(%dma_start3A_452 : memref<4x2048xf32, #tpu.memory_space<hbm>>) target(%arg6 : memref<4x2048xf32, #tpu.memory_space<vmem>>) target_semaphore(%arg16 : memref<!tpu.dma_semaphore, #tpu.memory_space<semaphore_mem>>)
      } else {
      }
      %mul3A_390 = arith.constant 4 : i32
      %mul3A_391 = arith.muli %add3A_372, %mul3A_390 : i32
      %add3A_392 = arith.addi %mul3A_2, %mul3A_391 : i32
      %dma_wait3A_393 = arith.constant 1 : i32
      %dma_wait3A_394 = arith.constant 0 : i32
      %dma_wait3A_395 = tpu.memref_slice %arg4[%dma_wait3A_393, %add3A_392, %dma_wait3A_394] : memref<4x4096x2048xf32, #tpu.memory_space<hbm>> -> memref<1x4x2048xf32, #tpu.memory_space<hbm>>
      %dma_wait3A_396 = tpu.memref_squeeze %dma_wait3A_395 : memref<1x4x2048xf32, #tpu.memory_space<hbm>> -> memref<4x2048xf32, #tpu.memory_space<hbm>>
      %dma_wait3A_397 = arith.constant 0 : i32
      %dma_wait3A_398 = tpu.memref_slice %arg4[%dma_wait3A_393, %add3A_392, %dma_wait3A_397] : memref<4x4096x2048xf32, #tpu.memory_space<hbm>> -> memref<1x4x2048xf32, #tpu.memory_space<hbm>>
      %dma_wait3A_399 = tpu.memref_squeeze %dma_wait3A_398 : memref<1x4x2048xf32, #tpu.memory_space<hbm>> -> memref<4x2048xf32, #tpu.memory_space<hbm>>
      tpu.wait_dma2 semaphore(%arg26 : memref<!tpu.dma_semaphore, #tpu.memory_space<semaphore_mem>>) src(%arg8 : memref<4x2048xf32, #tpu.memory_space<vmem>>) dst(%dma_wait3A_399 : memref<4x2048xf32, #tpu.memory_space<hbm>>)
      %add3A_400 = arith.constant 2 : i32
      %add3A_401 = arith.addi %add3A_372, %add3A_400 : i32
      %lt3A_402 = arith.constant 32 : i32
      %lt3A_403 = arith.cmpi slt, %add3A_401, %lt3A_402 : i32
      %convert_element_type3A_404 = arith.extui %lt3A_403 : i1 to i32
      %cond3A_405 = arith.constant 0 : i32
      %cond3A_406 = arith.cmpi ne, %convert_element_type3A_404, %cond3A_405 : i32
      scf.if %cond3A_406 {
        %add3A_441 = arith.constant 2 : i32
        %add3A_442 = arith.addi %add3A_372, %add3A_441 : i32
        %mul3A_443 = arith.constant 4 : i32
        %mul3A_444 = arith.muli %add3A_442, %mul3A_443 : i32
        %add3A_445 = arith.addi %mul3A_2, %mul3A_444 : i32
        %dma_start3A_446 = arith.constant 1 : i32
        %dma_start3A_447 = arith.constant 0 : i32
        %dma_start3A_448 = tpu.memref_slice %arg2[%dma_start3A_446, %add3A_445, %dma_start3A_447] : memref<4x4096x2048xf32, #tpu.memory_space<hbm>> -> memref<1x4x2048xf32, #tpu.memory_space<hbm>>
        %dma_start3A_449 = tpu.memref_squeeze %dma_start3A_448 : memref<1x4x2048xf32, #tpu.memory_space<hbm>> -> memref<4x2048xf32, #tpu.memory_space<hbm>>
        %dma_start3A_450 = arith.constant 0 : i32
        %dma_start3A_451 = tpu.memref_slice %arg2[%dma_start3A_446, %add3A_445, %dma_start3A_450] : memref<4x4096x2048xf32, #tpu.memory_space<hbm>> -> memref<1x4x2048xf32, #tpu.memory_space<hbm>>
        %dma_start3A_452 = tpu.memref_squeeze %dma_start3A_451 : memref<1x4x2048xf32, #tpu.memory_space<hbm>> -> memref<4x2048xf32, #tpu.memory_space<hbm>>
        tpu.enqueue_dma source(%dma_start3A_452 : memref<4x2048xf32, #tpu.memory_space<hbm>>) target(%arg8 : memref<4x2048xf32, #tpu.memory_space<vmem>>) target_semaphore(%arg18 : memref<!tpu.dma_semaphore, #tpu.memory_space<semaphore_mem>>)
      } else {
      }
      %mul3A_407 = arith.constant 4 : i32
      %mul3A_408 = arith.muli %add3A_372, %mul3A_407 : i32
      %add3A_409 = arith.addi %mul3A_2, %mul3A_408 : i32
      %dma_wait3A_410 = arith.constant 2 : i32
      %dma_wait3A_411 = arith.constant 0 : i32
      %dma_wait3A_412 = tpu.memref_slice %arg4[%dma_wait3A_410, %add3A_409, %dma_wait3A_411] : memref<4x4096x2048xf32, #tpu.memory_space<hbm>> -> memref<1x4x2048xf32, #tpu.memory_space<hbm>>
      %dma_wait3A_413 = tpu.memref_squeeze %dma_wait3A_412 : memref<1x4x2048xf32, #tpu.memory_space<hbm>> -> memref<4x2048xf32, #tpu.memory_space<hbm>>
      %dma_wait3A_414 = arith.constant 0 : i32
      %dma_wait3A_415 = tpu.memref_slice %arg4[%dma_wait3A_410, %add3A_409, %dma_wait3A_414] : memref<4x4096x2048xf32, #tpu.memory_space<hbm>> -> memref<1x4x2048xf32, #tpu.memory_space<hbm>>
      %dma_wait3A_416 = tpu.memref_squeeze %dma_wait3A_415 : memref<1x4x2048xf32, #tpu.memory_space<hbm>> -> memref<4x2048xf32, #tpu.memory_space<hbm>>
      tpu.wait_dma2 semaphore(%arg28 : memref<!tpu.dma_semaphore, #tpu.memory_space<semaphore_mem>>) src(%arg10 : memref<4x2048xf32, #tpu.memory_space<vmem>>) dst(%dma_wait3A_416 : memref<4x2048xf32, #tpu.memory_space<hbm>>)
      %add3A_417 = arith.constant 2 : i32
      %add3A_418 = arith.addi %add3A_372, %add3A_417 : i32
      %lt3A_419 = arith.constant 32 : i32
      %lt3A_420 = arith.cmpi slt, %add3A_418, %lt3A_419 : i32
      %convert_element_type3A_421 = arith.extui %lt3A_420 : i1 to i32
      %cond3A_422 = arith.constant 0 : i32
      %cond3A_423 = arith.cmpi ne, %convert_element_type3A_421, %cond3A_422 : i32
      scf.if %cond3A_423 {
        %add3A_441 = arith.constant 2 : i32
        %add3A_442 = arith.addi %add3A_372, %add3A_441 : i32
        %mul3A_443 = arith.constant 4 : i32
        %mul3A_444 = arith.muli %add3A_442, %mul3A_443 : i32
        %add3A_445 = arith.addi %mul3A_2, %mul3A_444 : i32
        %dma_start3A_446 = arith.constant 2 : i32
        %dma_start3A_447 = arith.constant 0 : i32
        %dma_start3A_448 = tpu.memref_slice %arg2[%dma_start3A_446, %add3A_445, %dma_start3A_447] : memref<4x4096x2048xf32, #tpu.memory_space<hbm>> -> memref<1x4x2048xf32, #tpu.memory_space<hbm>>
        %dma_start3A_449 = tpu.memref_squeeze %dma_start3A_448 : memref<1x4x2048xf32, #tpu.memory_space<hbm>> -> memref<4x2048xf32, #tpu.memory_space<hbm>>
        %dma_start3A_450 = arith.constant 0 : i32
        %dma_start3A_451 = tpu.memref_slice %arg2[%dma_start3A_446, %add3A_445, %dma_start3A_450] : memref<4x4096x2048xf32, #tpu.memory_space<hbm>> -> memref<1x4x2048xf32, #tpu.memory_space<hbm>>
        %dma_start3A_452 = tpu.memref_squeeze %dma_start3A_451 : memref<1x4x2048xf32, #tpu.memory_space<hbm>> -> memref<4x2048xf32, #tpu.memory_space<hbm>>
        tpu.enqueue_dma source(%dma_start3A_452 : memref<4x2048xf32, #tpu.memory_space<hbm>>) target(%arg10 : memref<4x2048xf32, #tpu.memory_space<vmem>>) target_semaphore(%arg20 : memref<!tpu.dma_semaphore, #tpu.memory_space<semaphore_mem>>)
      } else {
      }
      %mul3A_424 = arith.constant 4 : i32
      %mul3A_425 = arith.muli %add3A_372, %mul3A_424 : i32
      %add3A_426 = arith.addi %mul3A_2, %mul3A_425 : i32
      %dma_wait3A_427 = arith.constant 3 : i32
      %dma_wait3A_428 = arith.constant 0 : i32
      %dma_wait3A_429 = tpu.memref_slice %arg4[%dma_wait3A_427, %add3A_426, %dma_wait3A_428] : memref<4x4096x2048xf32, #tpu.memory_space<hbm>> -> memref<1x4x2048xf32, #tpu.memory_space<hbm>>
      %dma_wait3A_430 = tpu.memref_squeeze %dma_wait3A_429 : memref<1x4x2048xf32, #tpu.memory_space<hbm>> -> memref<4x2048xf32, #tpu.memory_space<hbm>>
      %dma_wait3A_431 = arith.constant 0 : i32
      %dma_wait3A_432 = tpu.memref_slice %arg4[%dma_wait3A_427, %add3A_426, %dma_wait3A_431] : memref<4x4096x2048xf32, #tpu.memory_space<hbm>> -> memref<1x4x2048xf32, #tpu.memory_space<hbm>>
      %dma_wait3A_433 = tpu.memref_squeeze %dma_wait3A_432 : memref<1x4x2048xf32, #tpu.memory_space<hbm>> -> memref<4x2048xf32, #tpu.memory_space<hbm>>
      tpu.wait_dma2 semaphore(%arg30 : memref<!tpu.dma_semaphore, #tpu.memory_space<semaphore_mem>>) src(%arg12 : memref<4x2048xf32, #tpu.memory_space<vmem>>) dst(%dma_wait3A_433 : memref<4x2048xf32, #tpu.memory_space<hbm>>)
      %add3A_434 = arith.constant 2 : i32
      %add3A_435 = arith.addi %add3A_372, %add3A_434 : i32
      %lt3A_436 = arith.constant 32 : i32
      %lt3A_437 = arith.cmpi slt, %add3A_435, %lt3A_436 : i32
      %convert_element_type3A_438 = arith.extui %lt3A_437 : i1 to i32
      %cond3A_439 = arith.constant 0 : i32
      %cond3A_440 = arith.cmpi ne, %convert_element_type3A_438, %cond3A_439 : i32
      scf.if %cond3A_440 {
        %add3A_441 = arith.constant 2 : i32
        %add3A_442 = arith.addi %add3A_372, %add3A_441 : i32
        %mul3A_443 = arith.constant 4 : i32
        %mul3A_444 = arith.muli %add3A_442, %mul3A_443 : i32
        %add3A_445 = arith.addi %mul3A_2, %mul3A_444 : i32
        %dma_start3A_446 = arith.constant 3 : i32
        %dma_start3A_447 = arith.constant 0 : i32
        %dma_start3A_448 = tpu.memref_slice %arg2[%dma_start3A_446, %add3A_445, %dma_start3A_447] : memref<4x4096x2048xf32, #tpu.memory_space<hbm>> -> memref<1x4x2048xf32, #tpu.memory_space<hbm>>
        %dma_start3A_449 = tpu.memref_squeeze %dma_start3A_448 : memref<1x4x2048xf32, #tpu.memory_space<hbm>> -> memref<4x2048xf32, #tpu.memory_space<hbm>>
        %dma_start3A_450 = arith.constant 0 : i32
        %dma_start3A_451 = tpu.memref_slice %arg2[%dma_start3A_446, %add3A_445, %dma_start3A_450] : memref<4x4096x2048xf32, #tpu.memory_space<hbm>> -> memref<1x4x2048xf32, #tpu.memory_space<hbm>>
        %dma_start3A_452 = tpu.memref_squeeze %dma_start3A_451 : memref<1x4x2048xf32, #tpu.memory_space<hbm>> -> memref<4x2048xf32, #tpu.memory_space<hbm>>
        tpu.enqueue_dma source(%dma_start3A_452 : memref<4x2048xf32, #tpu.memory_space<hbm>>) target(%arg12 : memref<4x2048xf32, #tpu.memory_space<vmem>>) target_semaphore(%arg22 : memref<!tpu.dma_semaphore, #tpu.memory_space<semaphore_mem>>)
      } else {
      }
    }
    %scan3A_90 = arith.constant 16 : i32
    return
  }
}

</mosaic_0001>

<sc_bundles>
// kernel: kernel.3.cloned.1.call-start
scs
__scs_entry_jumppad:
0x0: {  	(pc) =	sbr.rel $0x88, $3  }
0x1: {  	(tag) =	ssettag $0x0;
	lr =	simm.s32 $0x1  }
0x2: {  	[smem:$0x3F9F] =	sst lr;
	_ =	strace $0xD0000000  }
0x3: {  	_ = 	snop  }
0x4: {  	_ = 	snop  }
0x5: {  	_ = 	snop  }
0x6: {  	_ = 	snop  }
0x7: {  	_ = 	snop  }
__scs_overlays_trampoline_lowered:
0x8: {  	[smem:$0x3FAE] =	sst s0  }
0x9: {  	[smem:$0x3FAF] =	sst s1  }
0xa: {  	[smem:$0x3FB0] =	sst s2  }
0xb: {  	[smem:$0x3FB1] =	sst s3  }
0xc: {  	[smem:$0x3FB2] =	sst s4  }
0xd: {  	[smem:$0x3FB3] =	sst s5  }
0xe: {  	[smem:$0x3FB4] =	sst s6  }
0xf: {  	[smem:$0x3FB5] =	sst s7  }
0x10: {  	[smem:$0x3FB6] =	sst s8  }
0x11: {  	[smem:$0x3FB7] =	sst s9;
	s0 =	simm.s32 @!p0 $0x0  }
0x12: {  	s1 =	sld [smem:$0x3F9D];
	s0 =	simm.s32 @p0 $0x1  }
0x13: {  	[smem:$0x3FB8] =	sst s0;
	s0 =	simm.s32 @!p1 $0x0  }
0x14: {  	s2 =	sld [smem:$0x3F9C];
	s0 =	simm.s32 @p1 $0x1  }
0x15: {  	[smem:$0x3FB9] =	sst s0;
	s0 =	simm.s32 @!p2 $0x0  }
0x16: {  	s3 =	sld [smem:$0x3FDB];
	s0 =	simm.s32 @p2 $0x1  }
0x17: {  	s4 =	simm.s32 $0x1BF5;
	[smem:$0x3FBB] =	sst s0  }
0x18: {  	s0 =	sld [smem:$0x3F9E];
	_ =	swait.ge [sflag:s4], $0x0  }
0x19: {  	s7 =	sld [smem:$0x3F9F]  }
0x1a: {  	s8 =	sadd.s32 $0xFFFFE003, lr  }
0x1b: {  	s9 =	sadd.s32 $0xFFFFFEF7, lr;
	s5 =	simm.s32 $0xFFFFFFFF;
	p2 =	slt.u32 s8, $0xFFFFF086  }
0x1c: {  	p1 =	slt.u32 s9, $0xF7A;
	s5 =	simm.s32 @!p2 $0x0  }
0x1d: {  	s5 =	simm.s32 @p1 $0x1;
	p0 =	seq.s32 s7, s2  }
0x1e: {  	s7 =	smul.u32 @!p0 $0xF7A, s2;
	p2 =	seq.s32 @!p0 s5, $0x0  }
0x1f: {  	s9 =	smul.u32 $0xF7A, s1;
	s8 =	simm.s32 @!p0 $0x1BF5;
	p2 =	por !p2, p0  }
0x20: {  	[sflag:s8] =	ssyncset.s32 @!p0 $0xFFFFF086;
	s6 =	sadd.s32 @!p0 s3, s7;
	s7 =	simm.s32 @!p0 $0x108  }
0x21: {  	s3 =	sadd.s32 s3, s9;
	s6 =	sadd.s32 @!p0 $0x88, s6;
	s7 =	simm.s32 @p2 $0x1082  }
0x22: {  	[simem:s7], [sflag:s8] =	dma.local @!p0 [hbm:s6], $0xF7A  }
0x23: {  	s9 =	sor.u32 $0xD0000000, s2;
	s6 =	simm.s32 $0x108;
	_ =	swait.ge @!p0 [sflag:s8], $0x0  }
0x24: {  	s3 =	sadd.s32 $0x88, s3;
	s6 =	simm.s32 @!p1 $0x1082;
	[sflag:s4] =	ssyncset.s32 $0xFFFFF086  }
0x25: {  	[simem:s6], [sflag:s4] =	dma.local [hbm:s3], $0xF7A  }
0x26: {  	[smem:$0x3F9F] =	sst s1;
	(tag) =	ssettag s2;
	_ =	strace s9  }
0x27: {  	s1 =	sld [smem:$0x3FAF]  }
0x28: {  	s2 =	sld [smem:$0x3FB0]  }
0x29: {  	s4 =	sld [smem:$0x3FB2]  }
0x2a: {  	p0 =	seq.s32 s5, $0x0;
	s5 =	sld [smem:$0x3FB3]  }
0x2b: {  	s6 =	sld [smem:$0x3FB4]  }
0x2c: {  	s7 =	sld [smem:$0x3FB5]  }
0x2d: {  	s3 =	simm.s32 $0x108;
	s8 =	sld [smem:$0x3FB6]  }
0x2e: {  	s3 =	simm.s32 @!p0 $0x1082;
	s9 =	sld [smem:$0x3FB7]  }
0x2f: {  	lr =	sadd.s32 s0, s3;
	s0 =	sld [smem:$0x3FAE]  }
0x30: {  	s3 =	sld [smem:$0x3FB1]  }
0x31: {  	[smem:$0x3FBA] =	sst s10  }
0x32: {  	s10 =	sld [smem:$0x3FB8];
	_ =	sdelay $0x3  }
0x33: {  	p0 =	seq.s32 s10, $0x1;
	s10 =	sld [smem:$0x3FBA];
	_ =	sdelay $0x3  }
0x34: {  	[smem:$0x3FBA] =	sst s10  }
0x35: {  	s10 =	sld [smem:$0x3FB9];
	_ =	sdelay $0x3  }
0x36: {  	p1 =	seq.s32 s10, $0x1;
	s10 =	sld [smem:$0x3FBA];
	_ =	sdelay $0x3  }
0x37: {  	[smem:$0x3FBA] =	sst s10  }
0x38: {  	s10 =	sld [smem:$0x3FBB]  }
0x39: {  	_ = 	snop;
	(pc) =	sbr.ind lr, $3  }
0x3a: {  	_ = 	snop  }
0x3b: {  	_ = 	snop  }
0x3c: {  	p2 =	seq.s32 s10, $0x1;
	s10 =	sld [smem:$0x3FBA]  }
0x3d: {  	_ =	shalt  }
0x3e: {  	_ =	shalt  }
0x3f: {  	_ =	shalt  }
0x40: {  	_ =	shalt  }
0x41: {  	_ =	shalt  }
0x42: {  	_ =	shalt  }
0x43: {  	_ =	shalt  }
0x44: {  	_ =	shalt  }
0x45: {  	_ =	shalt  }
0x46: {  	_ =	shalt  }
0x47: {  	_ =	shalt  }
0x48: {  	_ =	shalt  }
0x49: {  	_ =	shalt  }
0x4a: {  	_ =	shalt  }
0x4b: {  	_ =	shalt  }
0x4c: {  	_ =	shalt  }
0x4d: {  	_ =	shalt  }
0x4e: {  	_ =	shalt  }
0x4f: {  	_ =	shalt  }
0x50: {  	_ =	shalt  }
0x51: {  	_ =	shalt  }
0x52: {  	_ =	shalt  }
0x53: {  	_ =	shalt  }
0x54: {  	_ =	shalt  }
0x55: {  	_ =	shalt  }
0x56: {  	_ =	shalt  }
0x57: {  	_ =	shalt  }
0x58: {  	_ =	shalt  }
0x59: {  	_ =	shalt  }
0x5a: {  	_ =	shalt  }
0x5b: {  	_ =	shalt  }
0x5c: {  	_ =	shalt  }
0x5d: {  	_ =	shalt  }
0x5e: {  	_ =	shalt  }
0x5f: {  	_ =	shalt  }
0x60: {  	_ =	shalt  }
0x61: {  	_ =	shalt  }
0x62: {  	_ =	shalt  }
0x63: {  	_ =	shalt  }
0x64: {  	_ =	shalt  }
0x65: {  	_ =	shalt  }
0x66: {  	_ =	shalt  }
0x67: {  	_ =	shalt  }
0x68: {  	_ =	shalt  }
0x69: {  	_ =	shalt  }
0x6a: {  	_ =	shalt  }
0x6b: {  	_ =	shalt  }
0x6c: {  	_ =	shalt  }
0x6d: {  	_ =	shalt  }
0x6e: {  	_ =	shalt  }
0x6f: {  	_ =	shalt  }
0x70: {  	_ =	shalt  }
0x71: {  	_ =	shalt  }
0x72: {  	_ =	shalt  }
0x73: {  	_ =	shalt  }
0x74: {  	_ =	shalt  }
0x75: {  	_ =	shalt  }
0x76: {  	_ =	shalt  }
0x77: {  	_ =	shalt  }
0x78: {  	_ =	shalt  }
0x79: {  	_ =	shalt  }
0x7a: {  	_ =	shalt  }
0x7b: {  	_ =	shalt  }
0x7c: {  	_ =	shalt  }
0x7d: {  	_ =	shalt  }
0x7e: {  	_ =	shalt  }
0x7f: {  	_ =	shalt  }
0x80: {  	_ =	shalt  }
0x81: {  	_ =	shalt  }
0x82: {  	_ =	shalt  }
0x83: {  	_ =	shalt  }
0x84: {  	_ =	shalt  }
0x85: {  	_ =	shalt  }
0x86: {  	_ =	shalt  }
0x87: {  	_ =	shalt  }
.Lfunc_end0:
.L_simem_size_0:
called_computation_lowered:
.L_overlay_start_0:
0x88: {  	s2 =	sld [smem:$0x3FD9]  }
0x89: {  	s3 =	sld [smem:$0x3FFE];
	_ =	sdelay $0x1  }
0x8a: {  	s1 =	srdreg.scid  }
0x8b: {  	s0 =	sand.u32 $0x1, s1  }
0x8c: {  	s18 =	sshll.u32 s0, $0xA;
	s2 =	sadd.s32 s3, s2  }
0x8d: {  	s2 =	sadd.s32 s2, s18  }
0x8e: {  	[smem:$0x3FC6] =	sst s2  }
0x8f: {  	_ = 	snop  }
0x90: {  	s2 =	sld [smem:$0x3FC9]  }
0x91: {  	s19 =	sld [smem:$0x3FC8]  }
0x92: {  	s4 =	sld [smem:$0x3FD0];
	(tm) =	ssettm $0x1  }
0x93: {  	s5 =	sld [smem:$0x3FFB];
	_ =	sdelay $0x3  }
0x94: {  	_ =	strace s5  }
0x95: {  	s5 =	sld [smem:$0x3FFC];
	_ =	sdelay $0x3  }
0x96: {  	_ =	strace s5  }
0x97: {  	s5 =	sld [smem:$0x3FFD];
	_ =	sdelay $0x3  }
0x98: {  	_ =	strace s5  }
0x99: {  	_ =	strace $0x8FFFFFFF  }
0x9a: {  	s20 =	sld [smem:$0x3FDB];
	_ =	sdelay $0x1  }
0x9b: {  	s6 =	simm.s32 $_scs_section_size  }
0x9c: {  	s7 =	simm.s32 $_size__tile_overlayer_lowered;
	s8 =	simm.s32 $_tile_overlayer_lowered  }
0x9d: {  	s23 =	simm.s32 $0x1BFF;
	s22 =	sshll.u32 s8, $0x1;
	s5 =	sadd.s32 s6, s20  }
0x9e: {  	s9 =	simm.s32 $0x0;
	s21 =	sshll.u32 s7, $0x1;
	s7 =	sadd.s32 s22, s5  }
0x9f: {  	[timem:s9], [sflag:s23] =	dma.local [hbm:s7], s21  }
0xa0: {  	_ =	swait.ge [sflag:s23], s21  }
0xa1: {  	s6 =	ssub.s32 $0x0, s21;
	[sflag:s23] =	ssyncset.done $0x0  }
0xa2: {  	[sflag:s23] =	ssyncadd.s32 s6;
	_ =	sdelay $0x1  }
0xa3: {  	s24 =	simm.s32 $0x1B8B  }
0xa4: {  	_ =	swait.ge [sflag:s24], $0x1  }
0xa5: {  	[sflag:s24] =	ssyncset.done $0x0  }
0xa6: {  	s25 =	simm.s32 $0x1B8E;
	[sflag:s24] =	ssyncadd.s32 $0xFFFFFFFF  }
0xa7: {  	s26 =	simm.s32 $execute0_lowered;
	[smem:$0x3FD2] =	sst s25  }
0xa8: {  	s6 =	sshll.u32 s26, $0x1;
	_ =	strace $0x80000046;
	[dreg:$0x1] =	wrdreg $0xFFFFFFFF  }
0xa9: {  	s28 =	simm.s32 $_size_execute0_lowered;
	s5 =	sadd.s32 s5, s6;
	[dreg:$0x0] =	wrdreg $0x0  }
0xaa: {  	s6 =	sshll.u32 s28, $0x1;
	[dreg:$0x2] =	wrdreg s5  }
0xab: {  	[dreg:$0x3] =	wrdreg s6  }
0xac: {  	[dreg:$0x4] =	wrdreg $0xC0  }
0xad: {  	_ =	task [dreg:s9], $0x5FFFF  }
0xae: {  	[dreg:$0x1] =	wrdreg $0xFFFFFFFF  }
0xaf: {  	[dreg:$0x0] =	wrdreg $0x60  }
0xb0: {  	[dreg:$0x2] =	wrdreg s2  }
0xb1: {  	[dreg:$0x3] =	wrdreg s19  }
0xb2: {  	[dreg:$0x4] =	wrdreg s4  }
0xb3: {  	[dreg:$0x5] =	wrdreg $0x9  }
0xb4: {  	_ =	task.clear_ibuf [dreg:s9], $0x6FFFF;
	_ =	strace $0x90000046  }
0xb5: {  	s29 =	simm.s32 $0x9;
	_ =	strace $0x80000048  }
0xb6: {  	_ =	swait.ge [sflag:s29], $0x1  }
0xb7: {  	[sflag:s29] =	ssyncadd.s32 $0xFFFFFFFF  }
0xb8: {  	_ =	strace $0x90000048  }
0xb9: {  	_ =	sfence  }
0xba: {  	s30 =	sld [smem:$0x0];
	_ =	sdelay $0x2  }
0xbb: {  	s31 =	sshll.u32 s1, $0xD;
	s1 =	sshrl.u32 s1, $0x2  }
0xbc: {  	s3 =	sand.u32 $0x4000, s31;
	s1 =	sadd.s32 s1, s30  }
0xbd: {  	s0 =	sor.u32 s3, s0;
	s1 =	sshll.u32 s1, $0x11  }
0xbe: {  	s0 =	sor.u32 s1, s0  }
0xbf: {  	s0 =	sadd.s32 $0x8F2B, s0  }
0xc0: {  	[sflag:s0] =	ssyncadd.remote.s32 $0x1  }
0xc1: {  	_ =	sfence.sel $0xFFFF  }
0xc2: {  	[dreg:$0x0] =	wrdreg $0xFFFFFFFF;
	(pc) =	sbr.abs _section_cstart, $3  }
0xc3: {  	[dreg:$0x1] =	wrdreg $0xFFFFFFFF  }
0xc4: {  	_ =	task.clear_ibuf [dreg:s9], $0x2FFFF;
	_ =	strace $0x9FFFFFFF  }
0xc5: {  	(tm) =	ssettm $0x7FFFFFFF  }
tec
execute0_lowered:
.L_overlay_start_1:
0x0: {  	(tag) =	ssettag $0x1  }
0x1: {  	s6 =	rddreg [dreg:$0x0]  }
0x2: {  	s0 =	rddreg [dreg:$0x1];
	s1 =	srdreg.scid  }
0x3: {  	s3 =	rddreg [dreg:$0x2];
	s2 =	stileid.u32  }
0x4: {  	s5 =	simm.s32 $0x0;
	s28 =	simm.s32 $0x200;
	s29 =	simm.s32 $0x400  }
0x5: {  	s14 =	simm.s32 $0xE000;
	[smem:$0x7FF] =	sst s5;
	s9 =	sadd.s32 $0x200000, s6  }
0x6: {  	s10 =	sadd.s32 $0x300000, s6;
	_ =	strace $0x80000047;
	[dreg:$0x7] =	wrdreg s9  }
0x7: {  	s30 =	simm.s32 $0x4;
	s21 =	sadd.s32 $0x200040, s6;
	[dreg:$0x8] =	wrdreg s10  }
0x8: {  	s11 =	simm.s32 $0x9;
	s22 =	sadd.s32 $0x300040, s6;
	[dreg:$0xd] =	wrdreg s21  }
0x9: {  	s1 =	sand.u32 $0x1, s1;
	s24 =	sadd.s32 $0x300000, s3;
	[dreg:$0xe] =	wrdreg s22  }
0xa: {  	s2 =	sshll.u32 s2, $0x8;
	s25 =	sadd.s32 $0x40, s3;
	[dreg:$0x13] =	wrdreg s24  }
0xb: {  	s31 =	sadd.s32 $0x40, s6;
	s4 =	sshll.u32 s1, $0x7;
	[dreg:$0x14] =	wrdreg s25  }
0xc: {  	s1 =	ssub.s32 $0x2, s1;
	[dreg:$0x17] =	wrdreg s31;
	s25 =	simm.s32 $0x7  }
0xd: {  	s24 =	simm.s32 $0xF;
	s2 =	sor.u32 s4, s2;
	s15 =	sshrl.u32 s1, $0x1  }
0xe: {  	s5 =	sshll.u32 s2, $0x8;
	s1 =	ssub.s32 s1, s15;
	s7 =	sshll.u32 s2, $0xB  }
0xf: {  	s2 =	sshrl.u32 s2, $0x3;
	s8 =	sadd.s32 s6, s5;
	s16 =	sadd.s32 s0, s5  }
0x10: {  	s18 =	sor.u32 $0x40, s5;
	s9 =	sadd.s32 s5, s9;
	[dreg:$0x12] =	wrdreg s2  }
0x11: {  	s19 =	sadd.s32 s5, s10;
	s23 =	sadd.s32 s5, s22;
	[dreg:$0x5] =	wrdreg s16  }
0x12: {  	s26 =	smax.u32 s1, $0x1;
	s2 =	simm.s32 $0x6;
	[dreg:$0x9] =	wrdreg s9  }
0x13: {  	s10 =	simm.s32 $0x8;
	s22 =	simm.s32 $0xE;
	[dreg:$0xa] =	wrdreg s19  }
0x14: {  	s1 =	simm.s32 $0x0;
	s17 =	sadd.s32 $0x100000, s8;
	[dreg:$0x4] =	wrdreg s8  }
0x15: {  	s20 =	sadd.s32 s0, s18;
	s4 =	sadd.s32 s6, s18;
	[dreg:$0x11] =	wrdreg s23  }
0x16: {  	s8 =	sadd.s32 $0x100040, s8;
	s0 =	sadd.s32 $0x40, s0;
	[dreg:$0x16] =	wrdreg s26  }
0x17: {  	s18 =	simm.s32 $0x4000;
	s19 =	simm.s32 $0x8000;
	[dreg:$0x6] =	wrdreg s17  }
.Ltmp0:
0x18: {  	s6 =	simm.s32 $0x12;
	[dreg:$0xb] =	wrdreg s20;
	(pc) =	sbr.rel .LBB2_1-.Ltmp0, $4  }
0x19: {  	s16 =	simm.s32 $0xB;
	s26 =	simm.s32 $0xA;
	[dreg:$0xc] =	wrdreg s4  }
0x1a: {  	s23 =	simm.s32 $0x10;
	[dreg:$0xf] =	wrdreg s8;
	s4 =	sadd.s32 s5, s21  }
0x1b: {  	[dreg:$0x15] =	wrdreg s0;
	s20 =	simm.s32 $0x5;
	s17 =	simm.s32 $0xD  }
0x1c: {  	s21 =	simm.s32 $0xC;
	[dreg:$0x10] =	wrdreg s4;
	s4 =	simm.s32 $0x2  }
.LBB2_36:
0x1d: {  	_ =	swait.ge [sflag:s11], $0x2000  }
0x1e: {  	[sflag:s11] =	ssyncset.done $0x0  }
0x1f: {  	[sflag:s11] =	ssyncadd.s32 $0xFFFFE000  }
0x20: {  	_ =	swait.ge [sflag:s16], $0x2000  }
0x21: {  	[sflag:s16] =	ssyncset.done $0x0  }
0x22: {  	[sflag:s16] =	ssyncadd.s32 $0xFFFFE000  }
0x23: {  	_ =	swait.ge [sflag:s17], $0x2000  }
0x24: {  	[sflag:s17] =	ssyncset.done $0x0  }
0x25: {  	[sflag:s17] =	ssyncadd.s32 $0xFFFFE000  }
0x26: {  	_ =	swait.ge [sflag:s24], $0x2000  }
0x27: {  	[sflag:s24] =	ssyncset.done $0x0  }
0x28: {  	[sflag:s24] =	ssyncadd.s32 $0xFFFFE000  }
0x29: {  	_ =	swait.ge [sflag:s26], $0x2000  }
0x2a: {  	[sflag:s26] =	ssyncset.done $0x0  }
0x2b: {  	[sflag:s26] =	ssyncadd.s32 $0xFFFFE000  }
0x2c: {  	_ =	swait.ge [sflag:s21], $0x2000  }
0x2d: {  	[sflag:s21] =	ssyncset.done $0x0  }
0x2e: {  	[sflag:s21] =	ssyncadd.s32 $0xFFFFE000  }
0x2f: {  	_ =	swait.ge [sflag:s22], $0x2000  }
0x30: {  	[sflag:s22] =	ssyncset.done $0x0  }
0x31: {  	[sflag:s22] =	ssyncadd.s32 $0xFFFFE000  }
0x32: {  	_ =	swait.ge [sflag:s23], $0x2000  }
0x33: {  	s1 =	rddreg [dreg:$0x18]  }
0x34: {  	s0 =	rddreg [dreg:$0x16];
	s1 =	sadd.s32 $0x1, s1  }
0x35: {  	p0 =	sne.s32 s1, s0  }
.Ltmp1:
0x36: {  	_ = 	snop;
	(pc) =	sbr.rel @!p0 .LBB2_37-.Ltmp1, $3  }
0x37: {  	_ =	sdelay $0x1  }
0x38: {  	[sflag:s23] =	ssyncset.done $0x0  }
0x39: {  	s18 =	simm.s32 $0x4000;
	s19 =	simm.s32 $0x8000;
	[sflag:s23] =	ssyncadd.s32 $0xFFFFE000  }
.LBB2_1:
0x3a: {  	[dreg:$0x18] =	wrdreg s1  }
0x3b: {  	s0 =	rddreg [dreg:$0x5];
	s8 =	simm.s32 $0x10000  }
0x3c: {  	[tilespmem:s8], [sflag:$0x11] =	stream.strided.gather [hbm4b:s0+s28], $0x2000, s29, s28, $0x38;
	[tilespmem:$0x14000] =	vst v63  }
0x3d: {  	s9 =	simm.s32 $0x0;
	s12 =	rddreg [dreg:$0x4]  }
0x3e: {  	[tilespmem:s9], [sflag:$0x1] =	stream.strided.gather [hbm4b:s12+s28], $0x2000, s29, s28, $0x38;
	[tilespmem:$0x14000] =	vst v63  }
0x3f: {  	s13 =	rddreg [dreg:$0x6]  }
0x40: {  	[tilespmem:s18], [sflag:$0x3] =	stream.strided.gather [hbm4b:s13+s28], $0x2000, s29, s28, $0x38;
	[tilespmem:$0x14000] =	vst v63  }
0x41: {  	s15 =	rddreg [dreg:$0x9]  }
0x42: {  	[tilespmem:s19], [sflag:$0x5] =	stream.strided.gather [hbm4b:s15+s28], $0x2000, s29, s28, $0x38;
	[tilespmem:$0x14000] =	vst v63  }
0x43: {  	s1 =	rddreg [dreg:$0xa];
	s8 =	simm.s32 $0xC000  }
0x44: {  	[tilespmem:s8], [sflag:$0x7] =	stream.strided.gather [hbm4b:s1+s28], $0x2000, s29, s28, $0x38;
	[tilespmem:$0x14000] =	vst v63  }
0x45: {  	s9 =	rddreg [dreg:$0xb];
	s12 =	simm.s32 $0x12000  }
0x46: {  	[tilespmem:s12], [sflag:$0x12] =	stream.strided.gather [hbm4b:s9+s28], $0x2000, s29, s28, $0x38;
	[tilespmem:$0x14000] =	vst v63  }
0x47: {  	s13 =	rddreg [dreg:$0xc];
	s15 =	simm.s32 $0x2000  }
0x48: {  	[tilespmem:s15], [sflag:$0x2] =	stream.strided.gather [hbm4b:s13+s28], $0x2000, s29, s28, $0x38;
	[tilespmem:$0x14000] =	vst v63  }
0x49: {  	s8 =	rddreg [dreg:$0xf];
	s9 =	simm.s32 $0x6000  }
0x4a: {  	[tilespmem:s9], [sflag:$0x4] =	stream.strided.gather [hbm4b:s8+s28], $0x2000, s29, s28, $0x38;
	[tilespmem:$0x14000] =	vst v63  }
0x4b: {  	s12 =	rddreg [dreg:$0x10];
	s13 =	simm.s32 $0xA000  }
0x4c: {  	[tilespmem:s13], [sflag:$0x6] =	stream.strided.gather [hbm4b:s12+s28], $0x2000, s29, s28, $0x38;
	[tilespmem:$0x14000] =	vst v63  }
0x4d: {  	s31 =	simm.s32 $0x0;
	s15 =	rddreg [dreg:$0x11]  }
0x4e: {  	[tilespmem:s14], [sflag:$0x8] =	stream.strided.gather [hbm4b:s15+s28], $0x2000, s29, s28, $0x38;
	[tilespmem:$0x14000] =	vst v63  }
.LBB2_2:
0x4f: {  	s0 =	simm.s32 $0x11  }
0x50: {  	_ =	swait.ge [sflag:s0], $0x2000  }
0x51: {  	[sflag:s0] =	ssyncset.done $0x0  }
0x52: {  	s15 =	simm.s32 $0x1;
	[sflag:s0] =	ssyncadd.s32 $0xFFFFE000  }
0x53: {  	_ =	swait.ge [sflag:s15], $0x2000  }
0x54: {  	s1 =	simm.s32 $0x10040;
	[sflag:s15] =	ssyncset.done $0x0  }
0x55: {  	s9 =	simm.s32 $0x40;
	s0 =	simm.s32 $0x0;
	[sflag:s15] =	ssyncadd.s32 $0xFFFFE000  }
.LBB2_3:
0x56: {  	v1 =	vld [tilespmem:s9+$0x30]  }
0x57: {  	v2 =	vld [tilespmem:s1+$0x30]  }
0x58: {  	v0 =	vld [tilespmem:s1+$0xFFFFFFC0]  }
0x59: {  	v3 =	vld [tilespmem:s9+$0xFFFFFFD0]  }
0x5a: {  	v4 =	vld [tilespmem:s1+$0xFFFFFFD0]  }
0x5b: {  	v5 =	vld [tilespmem:s9+$0xFFFFFFE0]  }
0x5c: {  	v6 =	vld [tilespmem:s1+$0xFFFFFFE0]  }
0x5d: {  	v7 =	vld [tilespmem:s9+$0xFFFFFFF0]  }
0x5e: {  	v8 =	vld [tilespmem:s1+$0xFFFFFFF0]  }
0x5f: {  	v9 =	vld [tilespmem:s9+$0x0]  }
0x60: {  	v10 =	vld [tilespmem:s1+$0x0];
	v2 =	vadd.f32 v2, v1  }
0x61: {  	v4 =	vadd.f32 v4, v3;
	v1 =	vld [tilespmem:s9+$0x10]  }
0x62: {  	v5 =	vadd.f32 v6, v5;
	v3 =	vld [tilespmem:s1+$0x10];
	[tilespmem:s9+$0x30] =	vst v2  }
0x63: {  	v6 =	vadd.f32 v8, v7;
	[tilespmem:s9+$0xFFFFFFD0] =	vst v4;
	v2 =	vld [tilespmem:s9+$0x20]  }
0x64: {  	s8 =	simm.s32 $0x0;
	[tilespmem:s9+$0xFFFFFFE0] =	vst v5;
	v5 =	vld [tilespmem:s1+$0x20]  }
0x65: {  	s13 =	sadd.s32 $0x200, s9;
	s14 =	smov.u32 s1;
	s12 =	smov.u32 s9;
	v4 =	vld [tilespmem:s9+$0xFFFFFFC0];
	[tilespmem:s9+$0xFFFFFFF0] =	vst v6;
	v6 =	vadd.f32 v10, v9  }
.LBB2_4:
0x66: {  	v7 =	vld [tilespmem:s13+$0x30];
	s14 =	sadd.s32 $0x200, s14  }
0x67: {  	s8 =	sadd.s32 $0x8, s8;
	v8 =	vld [tilespmem:s14+$0x30];
	[tilespmem:s12+$0x0] =	vst v6;
	v1 =	vadd.f32 v3, v1  }
0x68: {  	p0 =	slt.u32 s8, $0x78;
	v3 =	vld [tilespmem:s14+$0xFFFFFFC0]  }
0x69: {  	v6 =	vld [tilespmem:s13+$0xFFFFFFD0];
	[tilespmem:s12+$0x10] =	vst v1;
	v1 =	vadd.f32 v5, v2  }
0x6a: {  	v2 =	vld [tilespmem:s14+$0xFFFFFFD0];
	v9 =	vadd.f32 v0, v4  }
0x6b: {  	v4 =	vld [tilespmem:s13+$0xFFFFFFE0];
	[tilespmem:s12+$0x20] =	vst v1  }
0x6c: {  	v1 =	vld [tilespmem:s14+$0xFFFFFFE0];
	v5 =	vadd.f32 v8, v7;
	[tilespmem:s12+$0xFFFFFFC0] =	vst v9;
	s12 =	smov.u32 s13  }
0x6d: {  	v7 =	vld [tilespmem:s13+$0xFFFFFFF0];
	v0 =	vmov v3  }
0x6e: {  	v8 =	vld [tilespmem:s14+$0xFFFFFFF0];
	[tilespmem:s13+$0x30] =	vst v5  }
0x6f: {  	v2 =	vadd.f32 v2, v6;
	v6 =	vld [tilespmem:s13+$0x0]  }
0x70: {  	v9 =	vld [tilespmem:s14+$0x0]  }
.Ltmp2:
0x71: {  	[tilespmem:s13+$0xFFFFFFD0] =	vst v2;
	v2 =	vadd.f32 v1, v4;
	v1 =	vld [tilespmem:s13+$0x10];
	(pc) =	sbr.rel @p0 .LBB2_4-.Ltmp2, $4  }
0x72: {  	v3 =	vld [tilespmem:s14+$0x10]  }
0x73: {  	[tilespmem:s13+$0xFFFFFFE0] =	vst v2;
	v7 =	vadd.f32 v8, v7;
	v2 =	vld [tilespmem:s13+$0x20]  }
0x74: {  	v5 =	vld [tilespmem:s14+$0x20]  }
0x75: {  	s13 =	sadd.s32 $0x200, s13;
	v4 =	vld [tilespmem:s12+$0xFFFFFFC0];
	[tilespmem:s12+$0xFFFFFFF0] =	vst v7;
	v6 =	vadd.f32 v9, v6  }
0x76: {  	s0 =	sadd.s32 $0x1, s0  }
0x77: {  	p0 =	sne.s32 s0, $0x4  }
.Ltmp3:
0x78: {  	v1 =	vadd.f32 v3, v1;
	(pc) =	sbr.rel @p0 .LBB2_3-.Ltmp3, $4  }
0x79: {  	[tilespmem:s12+$0x0] =	vst v6;
	v2 =	vadd.f32 v5, v2  }
0x7a: {  	[tilespmem:s12+$0x10] =	vst v1;
	v0 =	vadd.f32 v0, v4  }
0x7b: {  	[tilespmem:s12+$0x20] =	vst v2  }
0x7c: {  	s1 =	sadd.s32 $0x80, s1;
	s9 =	sadd.s32 $0x80, s9;
	[tilespmem:s12+$0xFFFFFFC0] =	vst v0  }
0x7d: {  	s0 =	rddreg [dreg:$0x12]  }
0x7e: {  	s0 =	sor.u32 s0, s31  }
0x7f: {  	s0 =	sshll.u32 s0, $0xB  }
0x80: {  	s1 =	simm.s32 $0x0;
	s15 =	simm.s32 $0x3;
	s8 =	sadd.s32 s3, s0  }
0x81: {  	[hbm4b:s8+s28] =	stream.strided.scatter [tilespmem:s1], [sflag:$0x9], $0x2000, s29, s28, $0x38;
	[tilespmem:$0x14000] =	vst v63  }
0x82: {  	_ =	swait.ge [sflag:s15], $0x2000  }
0x83: {  	[sflag:s15] =	ssyncset.done $0x0  }
0x84: {  	s9 =	simm.s32 $0x10040;
	s12 =	simm.s32 $0x4040;
	[sflag:s15] =	ssyncadd.s32 $0xFFFFE000  }
.LBB2_7:
0x85: {  	v1 =	vld [tilespmem:s12+$0x30]  }
0x86: {  	v2 =	vld [tilespmem:s9+$0x30]  }
0x87: {  	v0 =	vld [tilespmem:s9+$0xFFFFFFC0]  }
0x88: {  	v3 =	vld [tilespmem:s12+$0xFFFFFFD0]  }
0x89: {  	v4 =	vld [tilespmem:s9+$0xFFFFFFD0]  }
0x8a: {  	v5 =	vld [tilespmem:s12+$0xFFFFFFE0]  }
0x8b: {  	v6 =	vld [tilespmem:s9+$0xFFFFFFE0]  }
0x8c: {  	v7 =	vld [tilespmem:s12+$0xFFFFFFF0]  }
0x8d: {  	v8 =	vld [tilespmem:s9+$0xFFFFFFF0]  }
0x8e: {  	v9 =	vld [tilespmem:s12+$0x0]  }
0x8f: {  	v10 =	vld [tilespmem:s9+$0x0];
	v2 =	vadd.f32 v2, v1  }
0x90: {  	v4 =	vadd.f32 v4, v3;
	v1 =	vld [tilespmem:s12+$0x10]  }
0x91: {  	v5 =	vadd.f32 v6, v5;
	v3 =	vld [tilespmem:s9+$0x10];
	[tilespmem:s12+$0x30] =	vst v2  }
0x92: {  	v6 =	vadd.f32 v8, v7;
	[tilespmem:s12+$0xFFFFFFD0] =	vst v4;
	v2 =	vld [tilespmem:s12+$0x20]  }
0x93: {  	s8 =	simm.s32 $0x0;
	[tilespmem:s12+$0xFFFFFFE0] =	vst v5;
	v5 =	vld [tilespmem:s9+$0x20]  }
0x94: {  	s14 =	sadd.s32 $0x200, s12;
	s15 =	smov.u32 s9;
	s13 =	smov.u32 s12;
	v4 =	vld [tilespmem:s12+$0xFFFFFFC0];
	[tilespmem:s12+$0xFFFFFFF0] =	vst v6;
	v6 =	vadd.f32 v10, v9  }
.LBB2_8:
0x95: {  	v7 =	vld [tilespmem:s14+$0x30];
	s15 =	sadd.s32 $0x200, s15  }
0x96: {  	s8 =	sadd.s32 $0x8, s8;
	v8 =	vld [tilespmem:s15+$0x30];
	[tilespmem:s13+$0x0] =	vst v6;
	v1 =	vadd.f32 v3, v1  }
0x97: {  	p0 =	slt.u32 s8, $0x78;
	v3 =	vld [tilespmem:s15+$0xFFFFFFC0]  }
0x98: {  	v6 =	vld [tilespmem:s14+$0xFFFFFFD0];
	[tilespmem:s13+$0x10] =	vst v1;
	v1 =	vadd.f32 v5, v2  }
0x99: {  	v2 =	vld [tilespmem:s15+$0xFFFFFFD0];
	v9 =	vadd.f32 v0, v4  }
0x9a: {  	v4 =	vld [tilespmem:s14+$0xFFFFFFE0];
	[tilespmem:s13+$0x20] =	vst v1  }
0x9b: {  	v1 =	vld [tilespmem:s15+$0xFFFFFFE0];
	v5 =	vadd.f32 v8, v7;
	[tilespmem:s13+$0xFFFFFFC0] =	vst v9;
	s13 =	smov.u32 s14  }
0x9c: {  	v7 =	vld [tilespmem:s14+$0xFFFFFFF0];
	v0 =	vmov v3  }
0x9d: {  	v8 =	vld [tilespmem:s15+$0xFFFFFFF0];
	[tilespmem:s14+$0x30] =	vst v5  }
0x9e: {  	v2 =	vadd.f32 v2, v6;
	v6 =	vld [tilespmem:s14+$0x0]  }
0x9f: {  	v9 =	vld [tilespmem:s15+$0x0]  }
.Ltmp4:
0xa0: {  	[tilespmem:s14+$0xFFFFFFD0] =	vst v2;
	v2 =	vadd.f32 v1, v4;
	v1 =	vld [tilespmem:s14+$0x10];
	(pc) =	sbr.rel @p0 .LBB2_8-.Ltmp4, $4  }
0xa1: {  	v3 =	vld [tilespmem:s15+$0x10]  }
0xa2: {  	[tilespmem:s14+$0xFFFFFFE0] =	vst v2;
	v7 =	vadd.f32 v8, v7;
	v2 =	vld [tilespmem:s14+$0x20]  }
0xa3: {  	v5 =	vld [tilespmem:s15+$0x20]  }
0xa4: {  	s14 =	sadd.s32 $0x200, s14;
	v4 =	vld [tilespmem:s13+$0xFFFFFFC0];
	[tilespmem:s13+$0xFFFFFFF0] =	vst v7;
	v6 =	vadd.f32 v9, v6  }
0xa5: {  	s1 =	sadd.s32 $0x1, s1  }
0xa6: {  	p0 =	sne.s32 s1, $0x4  }
.Ltmp5:
0xa7: {  	v1 =	vadd.f32 v3, v1;
	(pc) =	sbr.rel @p0 .LBB2_7-.Ltmp5, $4  }
0xa8: {  	[tilespmem:s13+$0x0] =	vst v6;
	v2 =	vadd.f32 v5, v2  }
0xa9: {  	[tilespmem:s13+$0x10] =	vst v1;
	v0 =	vadd.f32 v0, v4  }
0xaa: {  	[tilespmem:s13+$0x20] =	vst v2  }
0xab: {  	s9 =	sadd.s32 $0x80, s9;
	s12 =	sadd.s32 $0x80, s12;
	[tilespmem:s13+$0xFFFFFFC0] =	vst v0  }
0xac: {  	s1 =	sor.u32 $0x100000, s0  }
0xad: {  	s1 =	sadd.s32 s3, s1  }
0xae: {  	[hbm4b:s1+s28] =	stream.strided.scatter [tilespmem:s18], [sflag:$0xB], $0x2000, s29, s28, $0x38;
	[tilespmem:$0x14000] =	vst v63  }
0xaf: {  	_ =	swait.ge [sflag:s20], $0x2000  }
0xb0: {  	s9 =	simm.s32 $0x10040;
	[sflag:s20] =	ssyncset.done $0x0  }
0xb1: {  	s12 =	simm.s32 $0x8040;
	s1 =	simm.s32 $0x0;
	[sflag:s20] =	ssyncadd.s32 $0xFFFFE000  }
.LBB2_11:
0xb2: {  	v1 =	vld [tilespmem:s12+$0x30]  }
0xb3: {  	v2 =	vld [tilespmem:s9+$0x30]  }
0xb4: {  	v0 =	vld [tilespmem:s9+$0xFFFFFFC0]  }
0xb5: {  	v3 =	vld [tilespmem:s12+$0xFFFFFFD0]  }
0xb6: {  	v4 =	vld [tilespmem:s9+$0xFFFFFFD0]  }
0xb7: {  	v5 =	vld [tilespmem:s12+$0xFFFFFFE0]  }
0xb8: {  	v6 =	vld [tilespmem:s9+$0xFFFFFFE0]  }
0xb9: {  	v7 =	vld [tilespmem:s12+$0xFFFFFFF0]  }
0xba: {  	v8 =	vld [tilespmem:s9+$0xFFFFFFF0]  }
0xbb: {  	v9 =	vld [tilespmem:s12+$0x0]  }
0xbc: {  	v10 =	vld [tilespmem:s9+$0x0];
	v2 =	vadd.f32 v2, v1  }
0xbd: {  	v4 =	vadd.f32 v4, v3;
	v1 =	vld [tilespmem:s12+$0x10]  }
0xbe: {  	v5 =	vadd.f32 v6, v5;
	v3 =	vld [tilespmem:s9+$0x10];
	[tilespmem:s12+$0x30] =	vst v2  }
0xbf: {  	v6 =	vadd.f32 v8, v7;
	[tilespmem:s12+$0xFFFFFFD0] =	vst v4;
	v2 =	vld [tilespmem:s12+$0x20]  }
0xc0: {  	s8 =	simm.s32 $0x0;
	[tilespmem:s12+$0xFFFFFFE0] =	vst v5;
	v5 =	vld [tilespmem:s9+$0x20]  }
0xc1: {  	s14 =	sadd.s32 $0x200, s12;
	s15 =	smov.u32 s9;
	s13 =	smov.u32 s12;
	v4 =	vld [tilespmem:s12+$0xFFFFFFC0];
	[tilespmem:s12+$0xFFFFFFF0] =	vst v6;
	v6 =	vadd.f32 v10, v9  }
.LBB2_12:
0xc2: {  	v7 =	vld [tilespmem:s14+$0x30];
	s15 =	sadd.s32 $0x200, s15  }
0xc3: {  	s8 =	sadd.s32 $0x8, s8;
	v8 =	vld [tilespmem:s15+$0x30];
	[tilespmem:s13+$0x0] =	vst v6;
	v1 =	vadd.f32 v3, v1  }
0xc4: {  	p0 =	slt.u32 s8, $0x78;
	v3 =	vld [tilespmem:s15+$0xFFFFFFC0]  }
0xc5: {  	v6 =	vld [tilespmem:s14+$0xFFFFFFD0];
	[tilespmem:s13+$0x10] =	vst v1;
	v1 =	vadd.f32 v5, v2  }
0xc6: {  	v2 =	vld [tilespmem:s15+$0xFFFFFFD0];
	v9 =	vadd.f32 v0, v4  }
0xc7: {  	v4 =	vld [tilespmem:s14+$0xFFFFFFE0];
	[tilespmem:s13+$0x20] =	vst v1  }
0xc8: {  	v1 =	vld [tilespmem:s15+$0xFFFFFFE0];
	v5 =	vadd.f32 v8, v7;
	[tilespmem:s13+$0xFFFFFFC0] =	vst v9;
	s13 =	smov.u32 s14  }
0xc9: {  	v7 =	vld [tilespmem:s14+$0xFFFFFFF0];
	v0 =	vmov v3  }
0xca: {  	v8 =	vld [tilespmem:s15+$0xFFFFFFF0];
	[tilespmem:s14+$0x30] =	vst v5  }
0xcb: {  	v2 =	vadd.f32 v2, v6;
	v6 =	vld [tilespmem:s14+$0x0]  }
0xcc: {  	v9 =	vld [tilespmem:s15+$0x0]  }
.Ltmp6:
0xcd: {  	[tilespmem:s14+$0xFFFFFFD0] =	vst v2;
	v2 =	vadd.f32 v1, v4;
	v1 =	vld [tilespmem:s14+$0x10];
	(pc) =	sbr.rel @p0 .LBB2_12-.Ltmp6, $4  }
0xce: {  	v3 =	vld [tilespmem:s15+$0x10]  }
0xcf: {  	[tilespmem:s14+$0xFFFFFFE0] =	vst v2;
	v7 =	vadd.f32 v8, v7;
	v2 =	vld [tilespmem:s14+$0x20]  }
0xd0: {  	v5 =	vld [tilespmem:s15+$0x20]  }
0xd1: {  	s14 =	sadd.s32 $0x200, s14;
	v4 =	vld [tilespmem:s13+$0xFFFFFFC0];
	[tilespmem:s13+$0xFFFFFFF0] =	vst v7;
	v6 =	vadd.f32 v9, v6  }
0xd2: {  	s1 =	sadd.s32 $0x1, s1  }
0xd3: {  	p0 =	sne.s32 s1, $0x4  }
.Ltmp7:
0xd4: {  	v1 =	vadd.f32 v3, v1;
	(pc) =	sbr.rel @p0 .LBB2_11-.Ltmp7, $4  }
0xd5: {  	[tilespmem:s13+$0x0] =	vst v6;
	v2 =	vadd.f32 v5, v2  }
0xd6: {  	[tilespmem:s13+$0x10] =	vst v1;
	v0 =	vadd.f32 v0, v4  }
0xd7: {  	[tilespmem:s13+$0x20] =	vst v2  }
0xd8: {  	s9 =	sadd.s32 $0x80, s9;
	s12 =	sadd.s32 $0x80, s12;
	[tilespmem:s13+$0xFFFFFFC0] =	vst v0  }
0xd9: {  	s1 =	sor.u32 $0x200000, s0  }
0xda: {  	s1 =	sadd.s32 s3, s1  }
0xdb: {  	[hbm4b:s1+s28] =	stream.strided.scatter [tilespmem:s19], [sflag:$0xD], $0x2000, s29, s28, $0x38;
	[tilespmem:$0x14000] =	vst v63  }
0xdc: {  	_ =	swait.ge [sflag:s25], $0x2000  }
0xdd: {  	s9 =	simm.s32 $0x10040;
	[sflag:s25] =	ssyncset.done $0x0  }
0xde: {  	s12 =	simm.s32 $0xC040;
	s1 =	simm.s32 $0x0;
	[sflag:s25] =	ssyncadd.s32 $0xFFFFE000  }
.LBB2_15:
0xdf: {  	v1 =	vld [tilespmem:s12+$0x30]  }
0xe0: {  	v2 =	vld [tilespmem:s9+$0x30]  }
0xe1: {  	v0 =	vld [tilespmem:s9+$0xFFFFFFC0]  }
0xe2: {  	v3 =	vld [tilespmem:s12+$0xFFFFFFD0]  }
0xe3: {  	v4 =	vld [tilespmem:s9+$0xFFFFFFD0]  }
0xe4: {  	v5 =	vld [tilespmem:s12+$0xFFFFFFE0]  }
0xe5: {  	v6 =	vld [tilespmem:s9+$0xFFFFFFE0]  }
0xe6: {  	v7 =	vld [tilespmem:s12+$0xFFFFFFF0]  }
0xe7: {  	v8 =	vld [tilespmem:s9+$0xFFFFFFF0]  }
0xe8: {  	v9 =	vld [tilespmem:s12+$0x0]  }
0xe9: {  	v10 =	vld [tilespmem:s9+$0x0];
	v2 =	vadd.f32 v2, v1  }
0xea: {  	v4 =	vadd.f32 v4, v3;
	v1 =	vld [tilespmem:s12+$0x10]  }
0xeb: {  	v5 =	vadd.f32 v6, v5;
	v3 =	vld [tilespmem:s9+$0x10];
	[tilespmem:s12+$0x30] =	vst v2  }
0xec: {  	v6 =	vadd.f32 v8, v7;
	[tilespmem:s12+$0xFFFFFFD0] =	vst v4;
	v2 =	vld [tilespmem:s12+$0x20]  }
0xed: {  	s8 =	simm.s32 $0x0;
	[tilespmem:s12+$0xFFFFFFE0] =	vst v5;
	v5 =	vld [tilespmem:s9+$0x20]  }
0xee: {  	s14 =	sadd.s32 $0x200, s12;
	s15 =	smov.u32 s9;
	s13 =	smov.u32 s12;
	v4 =	vld [tilespmem:s12+$0xFFFFFFC0];
	[tilespmem:s12+$0xFFFFFFF0] =	vst v6;
	v6 =	vadd.f32 v10, v9  }
.LBB2_16:
0xef: {  	v7 =	vld [tilespmem:s14+$0x30];
	s15 =	sadd.s32 $0x200, s15  }
0xf0: {  	s8 =	sadd.s32 $0x8, s8;
	v8 =	vld [tilespmem:s15+$0x30];
	[tilespmem:s13+$0x0] =	vst v6;
	v1 =	vadd.f32 v3, v1  }
0xf1: {  	p0 =	slt.u32 s8, $0x78;
	v3 =	vld [tilespmem:s15+$0xFFFFFFC0]  }
0xf2: {  	v6 =	vld [tilespmem:s14+$0xFFFFFFD0];
	[tilespmem:s13+$0x10] =	vst v1;
	v1 =	vadd.f32 v5, v2  }
0xf3: {  	v2 =	vld [tilespmem:s15+$0xFFFFFFD0];
	v9 =	vadd.f32 v0, v4  }
0xf4: {  	v4 =	vld [tilespmem:s14+$0xFFFFFFE0];
	[tilespmem:s13+$0x20] =	vst v1  }
0xf5: {  	v1 =	vld [tilespmem:s15+$0xFFFFFFE0];
	v5 =	vadd.f32 v8, v7;
	[tilespmem:s13+$0xFFFFFFC0] =	vst v9;
	s13 =	smov.u32 s14  }
0xf6: {  	v7 =	vld [tilespmem:s14+$0xFFFFFFF0];
	v0 =	vmov v3  }
0xf7: {  	v8 =	vld [tilespmem:s15+$0xFFFFFFF0];
	[tilespmem:s14+$0x30] =	vst v5  }
0xf8: {  	v2 =	vadd.f32 v2, v6;
	v6 =	vld [tilespmem:s14+$0x0]  }
0xf9: {  	v9 =	vld [tilespmem:s15+$0x0]  }
.Ltmp8:
0xfa: {  	[tilespmem:s14+$0xFFFFFFD0] =	vst v2;
	v2 =	vadd.f32 v1, v4;
	v1 =	vld [tilespmem:s14+$0x10];
	(pc) =	sbr.rel @p0 .LBB2_16-.Ltmp8, $4  }
0xfb: {  	v3 =	vld [tilespmem:s15+$0x10]  }
0xfc: {  	[tilespmem:s14+$0xFFFFFFE0] =	vst v2;
	v7 =	vadd.f32 v8, v7;
	v2 =	vld [tilespmem:s14+$0x20]  }
0xfd: {  	v5 =	vld [tilespmem:s15+$0x20]  }
0xfe: {  	s14 =	sadd.s32 $0x200, s14;
	v4 =	vld [tilespmem:s13+$0xFFFFFFC0];
	[tilespmem:s13+$0xFFFFFFF0] =	vst v7;
	v6 =	vadd.f32 v9, v6  }
0xff: {  	s1 =	sadd.s32 $0x1, s1  }
0x100: {  	p0 =	sne.s32 s1, $0x4  }
.Ltmp9:
0x101: {  	v1 =	vadd.f32 v3, v1;
	(pc) =	sbr.rel @p0 .LBB2_15-.Ltmp9, $4  }
0x102: {  	[tilespmem:s13+$0x0] =	vst v6;
	v2 =	vadd.f32 v5, v2  }
0x103: {  	[tilespmem:s13+$0x10] =	vst v1;
	v0 =	vadd.f32 v0, v4  }
0x104: {  	[tilespmem:s13+$0x20] =	vst v2  }
0x105: {  	s9 =	sadd.s32 $0x80, s9;
	s12 =	sadd.s32 $0x80, s12;
	[tilespmem:s13+$0xFFFFFFC0] =	vst v0  }
0x106: {  	s8 =	rddreg [dreg:$0x13]  }
0x107: {  	s1 =	sshll.u32 s31, $0x1;
	s19 =	simm.s32 $0xC000;
	s0 =	sadd.s32 s0, s8  }
0x108: {  	[hbm4b:s0+s28] =	stream.strided.scatter [tilespmem:s19], [sflag:$0xF], $0x2000, s29, s28, $0x38;
	[tilespmem:$0x14000] =	vst v63  }
0x109: {  	p0 =	seq.s32 s31, $0xF;
	s0 =	sadd.s32 $0x2, s1  }
0x10a: {  	s9 =	rddreg [dreg:$0x5];
	s12 =	simm.s32 @!p0 $0x400;
	s8 =	sshll.u32 @!p0 s0, $0xA  }
0x10b: {  	s13 =	simm.s32 @!p0 $0x10000;
	s8 =	sadd.s32 @!p0 s8, s9;
	s9 =	simm.s32 @!p0 $0x200  }
0x10c: {  	[tilespmem:s13], [sflag:$0x11] =	stream.strided.gather @!p0 [hbm4b:s8+s9], $0x2000, s12, s9, $0x38;
	[tilespmem:$0x14000] =	vst v63  }
0x10d: {  	_ =	swait.ge [sflag:s6], $0x2000  }
0x10e: {  	[sflag:s6] =	ssyncset.done $0x0  }
0x10f: {  	[sflag:s6] =	ssyncadd.s32 $0xFFFFE000  }
0x110: {  	_ =	swait.ge [sflag:s4], $0x2000  }
0x111: {  	s9 =	simm.s32 $0x0;
	[sflag:s4] =	ssyncset.done $0x0  }
0x112: {  	s12 =	simm.s32 $0x12040;
	s13 =	simm.s32 $0x2040;
	[sflag:s4] =	ssyncadd.s32 $0xFFFFE000  }
.LBB2_19:
0x113: {  	v1 =	vld [tilespmem:s13+$0x30]  }
0x114: {  	v2 =	vld [tilespmem:s12+$0x30]  }
0x115: {  	v0 =	vld [tilespmem:s12+$0xFFFFFFC0]  }
0x116: {  	v3 =	vld [tilespmem:s13+$0xFFFFFFD0]  }
0x117: {  	v4 =	vld [tilespmem:s12+$0xFFFFFFD0]  }
0x118: {  	v5 =	vld [tilespmem:s13+$0xFFFFFFE0]  }
0x119: {  	v6 =	vld [tilespmem:s12+$0xFFFFFFE0]  }
0x11a: {  	v7 =	vld [tilespmem:s13+$0xFFFFFFF0]  }
0x11b: {  	v8 =	vld [tilespmem:s12+$0xFFFFFFF0]  }
0x11c: {  	v9 =	vld [tilespmem:s13+$0x0]  }
0x11d: {  	v10 =	vld [tilespmem:s12+$0x0];
	v2 =	vadd.f32 v2, v1  }
0x11e: {  	v4 =	vadd.f32 v4, v3;
	v1 =	vld [tilespmem:s13+$0x10]  }
0x11f: {  	v5 =	vadd.f32 v6, v5;
	v3 =	vld [tilespmem:s12+$0x10];
	[tilespmem:s13+$0x30] =	vst v2  }
0x120: {  	v6 =	vadd.f32 v8, v7;
	[tilespmem:s13+$0xFFFFFFD0] =	vst v4;
	v2 =	vld [tilespmem:s13+$0x20]  }
0x121: {  	s8 =	simm.s32 $0x0;
	[tilespmem:s13+$0xFFFFFFE0] =	vst v5;
	v5 =	vld [tilespmem:s12+$0x20]  }
0x122: {  	s15 =	sadd.s32 $0x200, s13;
	s18 =	smov.u32 s12;
	s14 =	smov.u32 s13;
	v4 =	vld [tilespmem:s13+$0xFFFFFFC0];
	[tilespmem:s13+$0xFFFFFFF0] =	vst v6;
	v6 =	vadd.f32 v10, v9  }
.LBB2_20:
0x123: {  	v7 =	vld [tilespmem:s15+$0x30];
	s18 =	sadd.s32 $0x200, s18  }
0x124: {  	s8 =	sadd.s32 $0x8, s8;
	v8 =	vld [tilespmem:s18+$0x30];
	[tilespmem:s14+$0x0] =	vst v6;
	v1 =	vadd.f32 v3, v1  }
0x125: {  	p1 =	slt.u32 s8, $0x78;
	v3 =	vld [tilespmem:s18+$0xFFFFFFC0]  }
0x126: {  	v6 =	vld [tilespmem:s15+$0xFFFFFFD0];
	[tilespmem:s14+$0x10] =	vst v1;
	v1 =	vadd.f32 v5, v2  }
0x127: {  	v2 =	vld [tilespmem:s18+$0xFFFFFFD0];
	v9 =	vadd.f32 v0, v4  }
0x128: {  	v4 =	vld [tilespmem:s15+$0xFFFFFFE0];
	[tilespmem:s14+$0x20] =	vst v1  }
0x129: {  	v1 =	vld [tilespmem:s18+$0xFFFFFFE0];
	v5 =	vadd.f32 v8, v7;
	[tilespmem:s14+$0xFFFFFFC0] =	vst v9;
	s14 =	smov.u32 s15  }
0x12a: {  	v7 =	vld [tilespmem:s15+$0xFFFFFFF0];
	v0 =	vmov v3  }
0x12b: {  	v8 =	vld [tilespmem:s18+$0xFFFFFFF0];
	[tilespmem:s15+$0x30] =	vst v5  }
0x12c: {  	v2 =	vadd.f32 v2, v6;
	v6 =	vld [tilespmem:s15+$0x0]  }
0x12d: {  	v9 =	vld [tilespmem:s18+$0x0]  }
.Ltmp10:
0x12e: {  	[tilespmem:s15+$0xFFFFFFD0] =	vst v2;
	v2 =	vadd.f32 v1, v4;
	v1 =	vld [tilespmem:s15+$0x10];
	(pc) =	sbr.rel @p1 .LBB2_20-.Ltmp10, $4  }
0x12f: {  	v3 =	vld [tilespmem:s18+$0x10]  }
0x130: {  	[tilespmem:s15+$0xFFFFFFE0] =	vst v2;
	v7 =	vadd.f32 v8, v7;
	v2 =	vld [tilespmem:s15+$0x20]  }
0x131: {  	v5 =	vld [tilespmem:s18+$0x20]  }
0x132: {  	s15 =	sadd.s32 $0x200, s15;
	v4 =	vld [tilespmem:s14+$0xFFFFFFC0];
	[tilespmem:s14+$0xFFFFFFF0] =	vst v7;
	v6 =	vadd.f32 v9, v6  }
0x133: {  	s9 =	sadd.s32 $0x1, s9  }
0x134: {  	p1 =	sne.s32 s9, $0x4  }
.Ltmp11:
0x135: {  	v1 =	vadd.f32 v3, v1;
	(pc) =	sbr.rel @p1 .LBB2_19-.Ltmp11, $4  }
0x136: {  	[tilespmem:s14+$0x0] =	vst v6;
	v2 =	vadd.f32 v5, v2  }
0x137: {  	[tilespmem:s14+$0x10] =	vst v1;
	v0 =	vadd.f32 v0, v4  }
0x138: {  	[tilespmem:s14+$0x20] =	vst v2  }
0x139: {  	s12 =	sadd.s32 $0x80, s12;
	s13 =	sadd.s32 $0x80, s13;
	[tilespmem:s14+$0xFFFFFFC0] =	vst v0  }
0x13a: {  	s8 =	sshll.u32 s31, $0xE  }
0x13b: {  	s8 =	sadd.s32 s7, s8  }
0x13c: {  	s19 =	rddreg [dreg:$0x14];
	s9 =	sshrl.u32 s8, $0x3  }
0x13d: {  	s12 =	simm.s32 $0x2000;
	s8 =	sadd.s32 s9, s19  }
0x13e: {  	[hbm4b:s8+s28] =	stream.strided.scatter [tilespmem:s12], [sflag:$0xA], $0x2000, s29, s28, $0x38;
	[tilespmem:$0x14000] =	vst v63  }
0x13f: {  	_ =	swait.ge [sflag:s30], $0x2000  }
0x140: {  	s19 =	simm.s32 $0x12040;
	[sflag:s30] =	ssyncset.done $0x0  }
0x141: {  	s12 =	simm.s32 $0x0;
	s8 =	simm.s32 $0x6040;
	[sflag:s30] =	ssyncadd.s32 $0xFFFFE000  }
.LBB2_23:
0x142: {  	v1 =	vld [tilespmem:s8+$0x30]  }
0x143: {  	v2 =	vld [tilespmem:s19+$0x30]  }
0x144: {  	v0 =	vld [tilespmem:s19+$0xFFFFFFC0]  }
0x145: {  	v3 =	vld [tilespmem:s8+$0xFFFFFFD0]  }
0x146: {  	v4 =	vld [tilespmem:s19+$0xFFFFFFD0]  }
0x147: {  	v5 =	vld [tilespmem:s8+$0xFFFFFFE0]  }
0x148: {  	v6 =	vld [tilespmem:s19+$0xFFFFFFE0]  }
0x149: {  	v7 =	vld [tilespmem:s8+$0xFFFFFFF0]  }
0x14a: {  	v8 =	vld [tilespmem:s19+$0xFFFFFFF0]  }
0x14b: {  	v9 =	vld [tilespmem:s8+$0x0]  }
0x14c: {  	v10 =	vld [tilespmem:s19+$0x0];
	v2 =	vadd.f32 v2, v1  }
0x14d: {  	v4 =	vadd.f32 v4, v3;
	v1 =	vld [tilespmem:s8+$0x10]  }
0x14e: {  	v5 =	vadd.f32 v6, v5;
	v3 =	vld [tilespmem:s19+$0x10];
	[tilespmem:s8+$0x30] =	vst v2  }
0x14f: {  	v6 =	vadd.f32 v8, v7;
	[tilespmem:s8+$0xFFFFFFD0] =	vst v4;
	v2 =	vld [tilespmem:s8+$0x20]  }
0x150: {  	s15 =	simm.s32 $0x0;
	[tilespmem:s8+$0xFFFFFFE0] =	vst v5;
	v5 =	vld [tilespmem:s19+$0x20]  }
0x151: {  	s18 =	sadd.s32 $0x200, s8;
	s13 =	smov.u32 s19;
	s14 =	smov.u32 s8;
	v4 =	vld [tilespmem:s8+$0xFFFFFFC0];
	[tilespmem:s8+$0xFFFFFFF0] =	vst v6;
	v6 =	vadd.f32 v10, v9  }
.LBB2_24:
0x152: {  	v7 =	vld [tilespmem:s18+$0x30];
	s13 =	sadd.s32 $0x200, s13  }
0x153: {  	s15 =	sadd.s32 $0x8, s15;
	v8 =	vld [tilespmem:s13+$0x30];
	[tilespmem:s14+$0x0] =	vst v6;
	v1 =	vadd.f32 v3, v1  }
0x154: {  	p1 =	slt.u32 s15, $0x78;
	v3 =	vld [tilespmem:s13+$0xFFFFFFC0]  }
0x155: {  	v6 =	vld [tilespmem:s18+$0xFFFFFFD0];
	[tilespmem:s14+$0x10] =	vst v1;
	v1 =	vadd.f32 v5, v2  }
0x156: {  	v2 =	vld [tilespmem:s13+$0xFFFFFFD0];
	v9 =	vadd.f32 v0, v4  }
0x157: {  	v4 =	vld [tilespmem:s18+$0xFFFFFFE0];
	[tilespmem:s14+$0x20] =	vst v1  }
0x158: {  	v1 =	vld [tilespmem:s13+$0xFFFFFFE0];
	v5 =	vadd.f32 v8, v7;
	[tilespmem:s14+$0xFFFFFFC0] =	vst v9;
	s14 =	smov.u32 s18  }
0x159: {  	v7 =	vld [tilespmem:s18+$0xFFFFFFF0];
	v0 =	vmov v3  }
0x15a: {  	v8 =	vld [tilespmem:s13+$0xFFFFFFF0];
	[tilespmem:s18+$0x30] =	vst v5  }
0x15b: {  	v2 =	vadd.f32 v2, v6;
	v6 =	vld [tilespmem:s18+$0x0]  }
0x15c: {  	v9 =	vld [tilespmem:s13+$0x0]  }
.Ltmp12:
0x15d: {  	[tilespmem:s18+$0xFFFFFFD0] =	vst v2;
	v2 =	vadd.f32 v1, v4;
	v1 =	vld [tilespmem:s18+$0x10];
	(pc) =	sbr.rel @p1 .LBB2_24-.Ltmp12, $4  }
0x15e: {  	v3 =	vld [tilespmem:s13+$0x10]  }
0x15f: {  	[tilespmem:s18+$0xFFFFFFE0] =	vst v2;
	v7 =	vadd.f32 v8, v7;
	v2 =	vld [tilespmem:s18+$0x20]  }
0x160: {  	v5 =	vld [tilespmem:s13+$0x20]  }
0x161: {  	s18 =	sadd.s32 $0x200, s18;
	v4 =	vld [tilespmem:s14+$0xFFFFFFC0];
	[tilespmem:s14+$0xFFFFFFF0] =	vst v7;
	v6 =	vadd.f32 v9, v6  }
0x162: {  	s12 =	sadd.s32 $0x1, s12  }
0x163: {  	p1 =	sne.s32 s12, $0x4  }
.Ltmp13:
0x164: {  	v1 =	vadd.f32 v3, v1;
	(pc) =	sbr.rel @p1 .LBB2_23-.Ltmp13, $4  }
0x165: {  	[tilespmem:s14+$0x0] =	vst v6;
	v2 =	vadd.f32 v5, v2  }
0x166: {  	[tilespmem:s14+$0x10] =	vst v1;
	v0 =	vadd.f32 v0, v4  }
0x167: {  	[tilespmem:s14+$0x20] =	vst v2  }
0x168: {  	s19 =	sadd.s32 $0x80, s19;
	s8 =	sadd.s32 $0x80, s8;
	[tilespmem:s14+$0xFFFFFFC0] =	vst v0  }
0x169: {  	s8 =	sor.u32 $0x100040, s9  }
0x16a: {  	s12 =	simm.s32 $0x6000;
	s8 =	sadd.s32 s3, s8  }
0x16b: {  	[hbm4b:s8+s28] =	stream.strided.scatter [tilespmem:s12], [sflag:$0xC], $0x2000, s29, s28, $0x38;
	[tilespmem:$0x14000] =	vst v63  }
0x16c: {  	_ =	swait.ge [sflag:s2], $0x2000  }
0x16d: {  	s13 =	simm.s32 $0x12040;
	[sflag:s2] =	ssyncset.done $0x0  }
0x16e: {  	s14 =	simm.s32 $0xA040;
	s12 =	simm.s32 $0x0;
	[sflag:s2] =	ssyncadd.s32 $0xFFFFE000  }
.LBB2_27:
0x16f: {  	v1 =	vld [tilespmem:s14+$0x30]  }
0x170: {  	v2 =	vld [tilespmem:s13+$0x30]  }
0x171: {  	v0 =	vld [tilespmem:s13+$0xFFFFFFC0]  }
0x172: {  	v3 =	vld [tilespmem:s14+$0xFFFFFFD0]  }
0x173: {  	v4 =	vld [tilespmem:s13+$0xFFFFFFD0]  }
0x174: {  	v5 =	vld [tilespmem:s14+$0xFFFFFFE0]  }
0x175: {  	v6 =	vld [tilespmem:s13+$0xFFFFFFE0]  }
0x176: {  	v7 =	vld [tilespmem:s14+$0xFFFFFFF0]  }
0x177: {  	v8 =	vld [tilespmem:s13+$0xFFFFFFF0]  }
0x178: {  	v9 =	vld [tilespmem:s14+$0x0]  }
0x179: {  	v10 =	vld [tilespmem:s13+$0x0];
	v2 =	vadd.f32 v2, v1  }
0x17a: {  	v4 =	vadd.f32 v4, v3;
	v1 =	vld [tilespmem:s14+$0x10]  }
0x17b: {  	v5 =	vadd.f32 v6, v5;
	v3 =	vld [tilespmem:s13+$0x10];
	[tilespmem:s14+$0x30] =	vst v2  }
0x17c: {  	v6 =	vadd.f32 v8, v7;
	[tilespmem:s14+$0xFFFFFFD0] =	vst v4;
	v2 =	vld [tilespmem:s14+$0x20]  }
0x17d: {  	s15 =	simm.s32 $0x0;
	[tilespmem:s14+$0xFFFFFFE0] =	vst v5;
	v5 =	vld [tilespmem:s13+$0x20]  }
0x17e: {  	s18 =	sadd.s32 $0x200, s14;
	s19 =	smov.u32 s13;
	s8 =	smov.u32 s14;
	v4 =	vld [tilespmem:s14+$0xFFFFFFC0];
	[tilespmem:s14+$0xFFFFFFF0] =	vst v6;
	v6 =	vadd.f32 v10, v9  }
.LBB2_28:
0x17f: {  	v7 =	vld [tilespmem:s18+$0x30];
	s19 =	sadd.s32 $0x200, s19  }
0x180: {  	s15 =	sadd.s32 $0x8, s15;
	v8 =	vld [tilespmem:s19+$0x30];
	[tilespmem:s8+$0x0] =	vst v6;
	v1 =	vadd.f32 v3, v1  }
0x181: {  	p1 =	slt.u32 s15, $0x78;
	v3 =	vld [tilespmem:s19+$0xFFFFFFC0]  }
0x182: {  	v6 =	vld [tilespmem:s18+$0xFFFFFFD0];
	[tilespmem:s8+$0x10] =	vst v1;
	v1 =	vadd.f32 v5, v2  }
0x183: {  	v2 =	vld [tilespmem:s19+$0xFFFFFFD0];
	v9 =	vadd.f32 v0, v4  }
0x184: {  	v4 =	vld [tilespmem:s18+$0xFFFFFFE0];
	[tilespmem:s8+$0x20] =	vst v1  }
0x185: {  	v1 =	vld [tilespmem:s19+$0xFFFFFFE0];
	v5 =	vadd.f32 v8, v7;
	[tilespmem:s8+$0xFFFFFFC0] =	vst v9;
	s8 =	smov.u32 s18  }
0x186: {  	v7 =	vld [tilespmem:s18+$0xFFFFFFF0];
	v0 =	vmov v3  }
0x187: {  	v8 =	vld [tilespmem:s19+$0xFFFFFFF0];
	[tilespmem:s18+$0x30] =	vst v5  }
0x188: {  	v2 =	vadd.f32 v2, v6;
	v6 =	vld [tilespmem:s18+$0x0]  }
0x189: {  	v9 =	vld [tilespmem:s19+$0x0]  }
.Ltmp14:
0x18a: {  	[tilespmem:s18+$0xFFFFFFD0] =	vst v2;
	v2 =	vadd.f32 v1, v4;
	v1 =	vld [tilespmem:s18+$0x10];
	(pc) =	sbr.rel @p1 .LBB2_28-.Ltmp14, $4  }
0x18b: {  	v3 =	vld [tilespmem:s19+$0x10]  }
0x18c: {  	[tilespmem:s18+$0xFFFFFFE0] =	vst v2;
	v7 =	vadd.f32 v8, v7;
	v2 =	vld [tilespmem:s18+$0x20]  }
0x18d: {  	v5 =	vld [tilespmem:s19+$0x20]  }
0x18e: {  	s18 =	sadd.s32 $0x200, s18;
	v4 =	vld [tilespmem:s8+$0xFFFFFFC0];
	[tilespmem:s8+$0xFFFFFFF0] =	vst v7;
	v6 =	vadd.f32 v9, v6  }
0x18f: {  	s12 =	sadd.s32 $0x1, s12  }
0x190: {  	p1 =	sne.s32 s12, $0x4  }
.Ltmp15:
0x191: {  	v1 =	vadd.f32 v3, v1;
	(pc) =	sbr.rel @p1 .LBB2_27-.Ltmp15, $4  }
0x192: {  	[tilespmem:s8+$0x0] =	vst v6;
	v2 =	vadd.f32 v5, v2  }
0x193: {  	[tilespmem:s8+$0x10] =	vst v1;
	v0 =	vadd.f32 v0, v4  }
0x194: {  	[tilespmem:s8+$0x20] =	vst v2  }
0x195: {  	s13 =	sadd.s32 $0x80, s13;
	s14 =	sadd.s32 $0x80, s14;
	[tilespmem:s8+$0xFFFFFFC0] =	vst v0  }
0x196: {  	s8 =	sor.u32 $0x200040, s9  }
0x197: {  	s12 =	simm.s32 $0xA000;
	s8 =	sadd.s32 s3, s8  }
0x198: {  	[hbm4b:s8+s28] =	stream.strided.scatter [tilespmem:s12], [sflag:$0xE], $0x2000, s29, s28, $0x38;
	[tilespmem:$0x14000] =	vst v63  }
0x199: {  	_ =	swait.ge [sflag:s10], $0x2000  }
0x19a: {  	s13 =	simm.s32 $0x12040;
	[sflag:s10] =	ssyncset.done $0x0  }
0x19b: {  	s14 =	simm.s32 $0xE040;
	s12 =	simm.s32 $0x0;
	[sflag:s10] =	ssyncadd.s32 $0xFFFFE000  }
.LBB2_31:
0x19c: {  	v1 =	vld [tilespmem:s14+$0x30]  }
0x19d: {  	v2 =	vld [tilespmem:s13+$0x30]  }
0x19e: {  	v0 =	vld [tilespmem:s13+$0xFFFFFFC0]  }
0x19f: {  	v3 =	vld [tilespmem:s14+$0xFFFFFFD0]  }
0x1a0: {  	v4 =	vld [tilespmem:s13+$0xFFFFFFD0]  }
0x1a1: {  	v5 =	vld [tilespmem:s14+$0xFFFFFFE0]  }
0x1a2: {  	v6 =	vld [tilespmem:s13+$0xFFFFFFE0]  }
0x1a3: {  	v7 =	vld [tilespmem:s14+$0xFFFFFFF0]  }
0x1a4: {  	v8 =	vld [tilespmem:s13+$0xFFFFFFF0]  }
0x1a5: {  	v9 =	vld [tilespmem:s14+$0x0]  }
0x1a6: {  	v10 =	vld [tilespmem:s13+$0x0];
	v2 =	vadd.f32 v2, v1  }
0x1a7: {  	v4 =	vadd.f32 v4, v3;
	v1 =	vld [tilespmem:s14+$0x10]  }
0x1a8: {  	v5 =	vadd.f32 v6, v5;
	v3 =	vld [tilespmem:s13+$0x10];
	[tilespmem:s14+$0x30] =	vst v2  }
0x1a9: {  	v6 =	vadd.f32 v8, v7;
	[tilespmem:s14+$0xFFFFFFD0] =	vst v4;
	v2 =	vld [tilespmem:s14+$0x20]  }
0x1aa: {  	s15 =	simm.s32 $0x0;
	[tilespmem:s14+$0xFFFFFFE0] =	vst v5;
	v5 =	vld [tilespmem:s13+$0x20]  }
0x1ab: {  	s18 =	sadd.s32 $0x200, s14;
	s19 =	smov.u32 s13;
	s8 =	smov.u32 s14;
	v4 =	vld [tilespmem:s14+$0xFFFFFFC0];
	[tilespmem:s14+$0xFFFFFFF0] =	vst v6;
	v6 =	vadd.f32 v10, v9  }
.LBB2_32:
0x1ac: {  	v7 =	vld [tilespmem:s18+$0x30];
	s19 =	sadd.s32 $0x200, s19  }
0x1ad: {  	s15 =	sadd.s32 $0x8, s15;
	v8 =	vld [tilespmem:s19+$0x30];
	[tilespmem:s8+$0x0] =	vst v6;
	v1 =	vadd.f32 v3, v1  }
0x1ae: {  	p1 =	slt.u32 s15, $0x78;
	v3 =	vld [tilespmem:s19+$0xFFFFFFC0]  }
0x1af: {  	v6 =	vld [tilespmem:s18+$0xFFFFFFD0];
	[tilespmem:s8+$0x10] =	vst v1;
	v1 =	vadd.f32 v5, v2  }
0x1b0: {  	v2 =	vld [tilespmem:s19+$0xFFFFFFD0];
	v9 =	vadd.f32 v0, v4  }
0x1b1: {  	v4 =	vld [tilespmem:s18+$0xFFFFFFE0];
	[tilespmem:s8+$0x20] =	vst v1  }
0x1b2: {  	v1 =	vld [tilespmem:s19+$0xFFFFFFE0];
	v5 =	vadd.f32 v8, v7;
	[tilespmem:s8+$0xFFFFFFC0] =	vst v9;
	s8 =	smov.u32 s18  }
0x1b3: {  	v7 =	vld [tilespmem:s18+$0xFFFFFFF0];
	v0 =	vmov v3  }
0x1b4: {  	v8 =	vld [tilespmem:s19+$0xFFFFFFF0];
	[tilespmem:s18+$0x30] =	vst v5  }
0x1b5: {  	v2 =	vadd.f32 v2, v6;
	v6 =	vld [tilespmem:s18+$0x0]  }
0x1b6: {  	v9 =	vld [tilespmem:s19+$0x0]  }
.Ltmp16:
0x1b7: {  	[tilespmem:s18+$0xFFFFFFD0] =	vst v2;
	v2 =	vadd.f32 v1, v4;
	v1 =	vld [tilespmem:s18+$0x10];
	(pc) =	sbr.rel @p1 .LBB2_32-.Ltmp16, $4  }
0x1b8: {  	v3 =	vld [tilespmem:s19+$0x10]  }
0x1b9: {  	[tilespmem:s18+$0xFFFFFFE0] =	vst v2;
	v7 =	vadd.f32 v8, v7;
	v2 =	vld [tilespmem:s18+$0x20]  }
0x1ba: {  	v5 =	vld [tilespmem:s19+$0x20]  }
0x1bb: {  	s18 =	sadd.s32 $0x200, s18;
	v4 =	vld [tilespmem:s8+$0xFFFFFFC0];
	[tilespmem:s8+$0xFFFFFFF0] =	vst v7;
	v6 =	vadd.f32 v9, v6  }
0x1bc: {  	s12 =	sadd.s32 $0x1, s12  }
0x1bd: {  	p1 =	sne.s32 s12, $0x4  }
.Ltmp17:
0x1be: {  	v1 =	vadd.f32 v3, v1;
	(pc) =	sbr.rel @p1 .LBB2_31-.Ltmp17, $4  }
0x1bf: {  	[tilespmem:s8+$0x0] =	vst v6;
	v2 =	vadd.f32 v5, v2  }
0x1c0: {  	[tilespmem:s8+$0x10] =	vst v1;
	v0 =	vadd.f32 v0, v4  }
0x1c1: {  	[tilespmem:s8+$0x20] =	vst v2  }
0x1c2: {  	s13 =	sadd.s32 $0x80, s13;
	s14 =	sadd.s32 $0x80, s14;
	[tilespmem:s8+$0xFFFFFFC0] =	vst v0  }
.Ltmp18:
0x1c3: {  	(pc) =	sbr.rel @p0 .LBB2_36-.Ltmp18, $4  }
0x1c4: {  	_ = 	snop  }
0x1c5: {  	s8 =	sor.u32 $0x300040, s9  }
0x1c6: {  	s14 =	simm.s32 $0xE000;
	s8 =	sadd.s32 s3, s8  }
0x1c7: {  	[hbm4b:s8+s28] =	stream.strided.scatter [tilespmem:s14], [sflag:$0x10], $0x2000, s29, s28, $0x38;
	[tilespmem:$0x14000] =	vst v63  }
0x1c8: {  	s1 =	sadd.s32 $0x3, s1  }
0x1c9: {  	s8 =	sshll.u32 s1, $0xA  }
0x1ca: {  	s8 =	sadd.s32 s5, s8  }
0x1cb: {  	s9 =	rddreg [dreg:$0x15];
	s8 =	sand.u32 $0x1FF800, s8  }
0x1cc: {  	s12 =	simm.s32 $0x12000;
	s9 =	sadd.s32 s8, s9  }
0x1cd: {  	[tilespmem:s12], [sflag:$0x12] =	stream.strided.gather [hbm4b:s9+s28], $0x2000, s29, s28, $0x38;
	[tilespmem:$0x14000] =	vst v63  }
0x1ce: {  	_ =	swait.ge [sflag:s11], $0x2000  }
0x1cf: {  	s13 =	sshll.u32 s0, $0xD;
	[sflag:s11] =	ssyncset.done $0x0  }
0x1d0: {  	s9 =	sadd.s32 s7, s13;
	[sflag:s11] =	ssyncadd.s32 $0xFFFFE000  }
0x1d1: {  	s9 =	sshrl.u32 s9, $0x3;
	s12 =	rddreg [dreg:$0x0]  }
0x1d2: {  	s13 =	simm.s32 $0x0;
	s9 =	sadd.s32 s12, s9  }
0x1d3: {  	[tilespmem:s13], [sflag:$0x1] =	stream.strided.gather [hbm4b:s9+s28], $0x2000, s29, s28, $0x38;
	[tilespmem:$0x14000] =	vst v63  }
0x1d4: {  	_ =	swait.ge [sflag:s16], $0x2000  }
0x1d5: {  	[sflag:s16] =	ssyncset.done $0x0  }
0x1d6: {  	s18 =	simm.s32 $0x4000;
	s9 =	sadd.s32 $0x100000, s9;
	[sflag:s16] =	ssyncadd.s32 $0xFFFFE000  }
0x1d7: {  	[tilespmem:s18], [sflag:$0x3] =	stream.strided.gather [hbm4b:s9+s28], $0x2000, s29, s28, $0x38;
	[tilespmem:$0x14000] =	vst v63  }
0x1d8: {  	s15 =	sshll.u32 s0, $0xA;
	_ =	swait.ge [sflag:s17], $0x2000  }
0x1d9: {  	s0 =	sadd.s32 s5, s15;
	[sflag:s17] =	ssyncset.done $0x0;
	s19 =	rddreg [dreg:$0x7]  }
0x1da: {  	[sflag:s17] =	ssyncadd.s32 $0xFFFFE000;
	s9 =	sadd.s32 s0, s19;
	s19 =	simm.s32 $0x8000  }
0x1db: {  	[tilespmem:s19], [sflag:$0x5] =	stream.strided.gather [hbm4b:s9+s28], $0x2000, s29, s28, $0x38;
	[tilespmem:$0x14000] =	vst v63  }
0x1dc: {  	_ =	swait.ge [sflag:s24], $0x2000  }
0x1dd: {  	s15 =	simm.s32 $0xC000;
	[sflag:s24] =	ssyncset.done $0x0;
	s13 =	rddreg [dreg:$0x8]  }
0x1de: {  	s9 =	sshll.u32 s1, $0xD;
	[sflag:s24] =	ssyncadd.s32 $0xFFFFE000;
	s0 =	sadd.s32 s0, s13  }
0x1df: {  	[tilespmem:s15], [sflag:$0x7] =	stream.strided.gather [hbm4b:s0+s28], $0x2000, s29, s28, $0x38;
	[tilespmem:$0x14000] =	vst v63  }
0x1e0: {  	s0 =	sadd.s32 s7, s9  }
0x1e1: {  	_ =	swait.ge [sflag:s26], $0x2000;
	s0 =	sand.u32 $0xFFC000, s0  }
0x1e2: {  	[sflag:s26] =	ssyncset.done $0x0;
	s0 =	sshrl.u32 s0, $0x3;
	s13 =	rddreg [dreg:$0x17]  }
0x1e3: {  	s15 =	simm.s32 $0x2000;
	[sflag:s26] =	ssyncadd.s32 $0xFFFFE000;
	s1 =	sadd.s32 s0, s13  }
0x1e4: {  	[tilespmem:s15], [sflag:$0x2] =	stream.strided.gather [hbm4b:s1+s28], $0x2000, s29, s28, $0x38;
	[tilespmem:$0x14000] =	vst v63  }
0x1e5: {  	_ =	swait.ge [sflag:s21], $0x2000  }
0x1e6: {  	s0 =	sadd.s32 s12, s0;
	[sflag:s21] =	ssyncset.done $0x0  }
0x1e7: {  	s9 =	simm.s32 $0x6000;
	s0 =	sadd.s32 $0x100040, s0;
	[sflag:s21] =	ssyncadd.s32 $0xFFFFE000  }
0x1e8: {  	[tilespmem:s9], [sflag:$0x4] =	stream.strided.gather [hbm4b:s0+s28], $0x2000, s29, s28, $0x38;
	[tilespmem:$0x14000] =	vst v63  }
0x1e9: {  	_ =	swait.ge [sflag:s22], $0x2000  }
0x1ea: {  	[sflag:s22] =	ssyncset.done $0x0;
	s12 =	rddreg [dreg:$0xd]  }
0x1eb: {  	s13 =	simm.s32 $0xA000;
	[sflag:s22] =	ssyncadd.s32 $0xFFFFE000;
	s0 =	sadd.s32 s8, s12  }
0x1ec: {  	[tilespmem:s13], [sflag:$0x6] =	stream.strided.gather [hbm4b:s0+s28], $0x2000, s29, s28, $0x38;
	[tilespmem:$0x14000] =	vst v63  }
.Ltmp19:
0x1ed: {  	_ = 	snop;
	(pc) =	sbr.rel .LBB2_2-.Ltmp19, $4  }
0x1ee: {  	_ =	swait.ge [sflag:s23], $0x2000  }
0x1ef: {  	[sflag:s23] =	ssyncset.done $0x0;
	s15 =	rddreg [dreg:$0xe]  }
0x1f0: {  	s31 =	sadd.s32 $0x1, s31;
	[sflag:s23] =	ssyncadd.s32 $0xFFFFE000;
	s0 =	sadd.s32 s8, s15  }
0x1f1: {  	[tilespmem:s14], [sflag:$0x8] =	stream.strided.gather [hbm4b:s0+s28], $0x2000, s29, s28, $0x38;
	[tilespmem:$0x14000] =	vst v63  }
.LBB2_37:
0x1f2: {  	_ =	sfence.sel $0x180000  }
0x1f3: {  	[bflag:$0x0] =	sbarrier.arrive $0xFFFF  }
0x1f4: {  	_ =	strace $0x90000047  }
0x1f5: {  	s0 =	stileid.u32;
	[bflag:$0x2] =	sbarrier.arrive $0xFFFF  }
0x1f6: {  	p0 =	sne.s32 s0, $0x0;
	s0 =	rddreg [dreg:$0x3]  }
0x1f7: {  	s0 =	sadd.s32 @!p0 $0x100000, s0  }
0x1f8: {  	[sflag:s0] =	ssyncadd.tile.s32 @!p0 $0x1;
	_ =	shalt  }
.Lfunc_end2:
_tile_overlayer_lowered:
.L_overlay_start_2:
0x1f9: {  	(tag) =	ssettag $0x2  }
0x1fa: {  	s0 =	rddreg [dreg:$0x0];
	s2 =	stileid.u32  }
0x1fb: {  	s1 =	rddreg [dreg:$0x1];
	p0 =	sne.s32 s2, $0x0  }
0x1fc: {  	s3 =	rddreg [dreg:$0x2];
	[bflag:$0x3] =	sbarrier.arrive $0xFFFF;
	s2 =	simm.s32 @!p0 $0x1C13  }
0x1fd: {  	[timem:s3], [sflag:s2] =	dma.local @!p0 [hbm:s0], s1  }
0x1fe: {  	s0 =	simm.s32 @!p0 $0x13  }
0x1ff: {  	_ =	swait.ge @!p0 [sflag:s0], s1  }
0x200: {  	s1 =	ssub.s32 @!p0 $0x0, s1;
	[sflag:s0] =	ssyncset.done @!p0 $0x0  }
0x201: {  	[sflag:s0] =	ssyncadd.s32 @!p0 s1  }
0x202: {  	[bflag:$0x3] =	sbarrier.arrive $0xFFFF  }
0x203: {  	_ =	shalt  }

</sc_bundles>
